<compile_context>
chip_gen: v7x
topology: tpu7x:2x2x1
jax: 0.10.2.dev20260603
libtpu: 0.0.44.dev20260713+nightly
codegen_flags: <defaults>
</compile_context>

<pallas_src>
import jax
import jax.numpy as jnp
from jax import lax
from jax.experimental import pallas as pl
from jax.experimental.pallas import tpu as pltpu
from jax.experimental.pallas import tpu_sc as plsc

_B = 16
_M = 8192
_H = 512
_W = 512
_NC = 2
_HALVES = 2
_SUBS = 2
_ROWS = _H // (_HALVES * _SUBS)
_REGION = _ROWS * _W

_LANES = 16
_ZUNROLL = 16
_CUNROLL = 2


def _tile_body(idx_hbm, nv_hbm, val_hbm, out_hbm,
               idx_v, val_v, nv_v, dense_v, sem_i, sem_v, sem_n):
  wid = lax.axis_index("s") * _NC + lax.axis_index("c")
  b = wid // _HALVES
  half = wid % _HALVES

  cp_i = pltpu.async_copy(idx_hbm.at[b], idx_v, sem_i)
  cp_v = pltpu.async_copy(val_hbm.at[b], val_v, sem_v)
  cp_n = pltpu.async_copy(nv_hbm, nv_v, sem_n)

  def zero_body(i, _):
    base = i * (_LANES * _ZUNROLL)
    for u in range(_ZUNROLL):
      dense_v[pl.ds(base + u * _LANES, _LANES)] = jnp.zeros(
          (_LANES,), jnp.float32)
    return 0

  lax.fori_loop(0, _REGION // (_LANES * _ZUNROLL), zero_body, 0)

  cp_n.wait()
  cp_i.wait()
  cp_v.wait()

  lane = lax.iota(jnp.int32, _LANES)
  b_splat = jnp.full((_LANES,), b, jnp.int32)
  nv_splat = plsc.load_gather(nv_v, [b_splat])
  n_blocks = (jnp.max(nv_splat) + (_LANES * _CUNROLL - 1)) // (
      _LANES * _CUNROLL)

  for sub in range(_SUBS):
    r_lo = (half * _SUBS + sub) * _ROWS

    if sub > 0:
      lax.fori_loop(0, _REGION // (_LANES * _ZUNROLL), zero_body, 0)

    def scatter_body(i, _, r_lo=r_lo):
      for u in range(_CUNROLL):
        m0 = (i * _CUNROLL + u) * _LANES
        mm = m0 + lane
        off = ((mm >> 7) << 8) + (mm & 127)
        r = plsc.load_gather(idx_v, [off])
        c = plsc.load_gather(idx_v, [off + 128])
        v = val_v[pl.ds(m0, _LANES)]
        rel = r - r_lo
        msk = (mm < nv_splat) & (rel >= 0) & (rel < _ROWS)
        relc = jnp.where(msk, rel, 0)
        loc = ((relc >> 3) << 12) + ((c >> 7) << 10) + ((relc & 7) << 7) + (
            c & 127)
        plsc.store_scatter(dense_v, [loc], v, mask=msk)
      return 0

    lax.fori_loop(0, n_blocks, scatter_body, 0)

    pltpu.sync_copy(dense_v, out_hbm.at[b, pl.ds(r_lo * _W, _REGION)])


@jax.jit
def _launch(idx_flat, num_valid, vals):
  mesh = plsc.VectorSubcoreMesh(core_axis_name="c", subcore_axis_name="s")
  f = pl.kernel(
      _tile_body,
      out_type=jax.ShapeDtypeStruct((_B, _H * _W), jnp.float32),
      mesh=mesh,
      compiler_params=pltpu.CompilerParams(
          needs_layout_passes=False, use_tc_tiling_on_sc=False,
          disable_bounds_checks=True, disable_semaphore_checks=True,
          skip_device_barrier=True),
      scratch_types=[
          pltpu.VMEM((_M * 2,), jnp.int32),
          pltpu.VMEM((_M,), jnp.float32),
          pltpu.VMEM((_LANES,), jnp.int32),
          pltpu.VMEM((_REGION,), jnp.float32),
          pltpu.SemaphoreType.DMA,
          pltpu.SemaphoreType.DMA,
          pltpu.SemaphoreType.DMA,
      ],
  )
  return f(idx_flat, num_valid, vals)


def kernel(indices, num_valid_coordinates, padded_features):
  idx_flat = indices.reshape(_B, _M // 128, 128, 2)
  idx_flat = idx_flat.transpose(0, 1, 3, 2).reshape(_B, 2 * _M)
  vals = padded_features.reshape(_B, _M)
  out = _launch(idx_flat, num_valid_coordinates, vals)
  out = out.reshape(_B, _H // 8, _W // 128, 8, 128)
  out = out.transpose(0, 1, 3, 2, 4)
  return out.reshape(_B, _H, _W)

# --- scband reference (transcript-rebuilt; emitter-appended) ---
"""Pipeline reference for scband-dense-from-sparse-11879879543232 (READ-ONLY COPY).

The authoritative reference and input builder live on the scoring server;
editing this copy changes nothing except your own understanding.
"""

import jax, jax.numpy as jnp
import numpy as np

B = 16
M = 8192
H = 512
W = 512


def setup_inputs(seed: int = 0) -> dict:
    key = jax.random.key(seed)
    k1, k2, k3 = jax.random.split(key, 3)
    indices = jax.random.randint(k1, (B, M, 2), 0, H).astype(jnp.int32)
    num_valid_coordinates = jax.random.randint(k2, (B,), 0, M).astype(jnp.int32)
    padded_features = jax.random.normal(k3, (B, M, 1), dtype=jnp.float32)
    return {
        "indices": indices,
        "num_valid_coordinates": num_valid_coordinates,
        "padded_features": padded_features,
    }


def reference(indices, num_valid_coordinates, padded_features):
    # Faithful port of DenseFromSparse: per batch item, build a sparse tensor from
    # the first num_valid_coordinates[i] (row, col) coords and squeezed features,
    # then densify into [B, H, W]. Padding entries contribute nothing.
    Bv = indices.shape[0]
    Mv = indices.shape[1]
    vals = jnp.squeeze(padded_features, axis=-1)  # [B, M]
    valid = jnp.arange(Mv, dtype=num_valid_coordinates.dtype)[None, :] < num_valid_coordinates[:, None]  # [B, M]
    # Route invalid (padded) entries to an out-of-bounds index so mode='drop' skips them.
    rows = jnp.where(valid, indices[..., 0], H)
    cols = jnp.where(valid, indices[..., 1], W)
    b_idx = jnp.broadcast_to(jnp.arange(Bv)[:, None], (Bv, Mv))
    dense = jnp.zeros((Bv, H, W), dtype=vals.dtype)
    dense = dense.at[b_idx, rows, cols].set(vals, mode="drop")
    return dense

if __name__ == "__main__":
    import jax
    _d = setup_inputs()
    print(jax.jit(kernel)(*tuple(_d.values())))

</pallas_src>

<mosaic_0001>
#map = affine_map<(d0, d1) -> (0, 0)>
#map1 = affine_map<(d0, d1) -> (0)>
module attributes {stable_mosaic.version = 14 : i64} {
  func.func @_tile_body(%arg0: i32, %arg1: i32, %arg2: memref<16x16384xi32, #tpu.memory_space<hbm>>, %arg3: memref<16xi32, #tpu.memory_space<hbm>>, %arg4: memref<16x8192xf32, #tpu.memory_space<hbm>>, %arg5: memref<16x262144xf32, #tpu.memory_space<hbm>>, %arg6: memref<16384xi32, #tpu.memory_space<vmem>>, %arg7: memref<8192xf32, #tpu.memory_space<vmem>>, %arg8: memref<16xi32, #tpu.memory_space<vmem>>, %arg9: memref<65536xf32, #tpu.memory_space<vmem>>, %arg10: memref<!tpu.dma_semaphore, #tpu.memory_space<semaphore_mem>>, %arg11: memref<!tpu.dma_semaphore, #tpu.memory_space<semaphore_mem>>, %arg12: memref<!tpu.dma_semaphore, #tpu.memory_space<semaphore_mem>>) attributes {dimension_semantics = [#tpu.dimension_semantics<core_parallel>, #tpu.dimension_semantics<subcore_parallel>], iteration_bounds = array<i64: 2, 16>, scalar_prefetch = 0 : i64, scratch_operands = 7 : i64, tpu.core_type = #tpu.core_type<sc_vector_subcore>, window_params = [{transform_indices = #map}, {transform_indices = #map1}, {transform_indices = #map}, {transform_indices = #map}]} {
    %mul3A = arith.constant 2 : i32
    %mul3A_0 = arith.muli %arg1, %mul3A : i32
    %add3A = arith.addi %mul3A_0, %arg0 : i32
    %jit3A = arith.constant 2 : i32
    %div3A = arith.divsi %add3A, %jit3A : i32
    %sign3A = arith.constant 0 : i32
    %sign3A_1 = arith.cmpi sgt, %add3A, %sign3A : i32
    %sign3A_2 = arith.extui %sign3A_1 : i1 to i32
    %sign3A_3 = arith.constant 0 : i32
    %sign3A_4 = arith.cmpi slt, %add3A, %sign3A_3 : i32
    %sign3A_5 = arith.extui %sign3A_4 : i1 to i32
    %sign3A_6 = arith.subi %sign3A_2, %sign3A_5 : i32
    %sign3A_7 = arith.constant 0 : i32
    %sign3A_8 = arith.cmpi sgt, %jit3A, %sign3A_7 : i32
    %sign3A_9 = arith.extui %sign3A_8 : i1 to i32
    %sign3A_10 = arith.constant 0 : i32
    %sign3A_11 = arith.cmpi slt, %jit3A, %sign3A_10 : i32
    %sign3A_12 = arith.extui %sign3A_11 : i1 to i32
    %sign3A_13 = arith.subi %sign3A_9, %sign3A_12 : i32
    %ne3A = arith.cmpi ne, %sign3A_6, %sign3A_13 : i32
    %rem3A = arith.remsi %add3A, %jit3A : i32
    %ne3A_14 = arith.constant 0 : i32
    %ne3A_15 = arith.cmpi ne, %rem3A, %ne3A_14 : i32
    %and3A = arith.andi %ne3A, %ne3A_15 : i1
    %sub3A = arith.constant 1 : i32
    %sub3A_16 = arith.subi %div3A, %sub3A : i32
    %select_n3A = arith.select %and3A, %sub3A_16, %div3A : i32
    %jit3A_17 = arith.constant 2 : i32
    %eq3A = arith.constant 0 : i32
    %eq3A_18 = arith.cmpi eq, %jit3A_17, %eq3A : i32
    %jit3A_19 = arith.constant 1 : i32
    %select_n3A_20 = arith.select %eq3A_18, %jit3A_19, %jit3A_17 : i32
    %rem3A_21 = arith.remsi %add3A, %select_n3A_20 : i32
    %ne3A_22 = arith.constant 0 : i32
    %ne3A_23 = arith.cmpi ne, %rem3A_21, %ne3A_22 : i32
    %lt3A = arith.constant 0 : i32
    %lt3A_24 = arith.cmpi slt, %rem3A_21, %lt3A : i32
    %lt3A_25 = arith.constant 0 : i32
    %lt3A_26 = arith.cmpi slt, %select_n3A_20, %lt3A_25 : i32
    %ne3A_27 = arith.xori %lt3A_24, %lt3A_26 : i1
    %and3A_28 = arith.andi %ne3A_27, %ne3A_23 : i1
    %add3A_29 = arith.addi %rem3A_21, %select_n3A_20 : i32
    %select_n3A_30 = arith.select %and3A_28, %add3A_29, %rem3A_21 : i32
    %dma_start3A = arith.constant 0 : i32
    %dma_start3A_31 = tpu.memref_slice %arg2[%select_n3A, %dma_start3A] : memref<16x16384xi32, #tpu.memory_space<hbm>> -> memref<1x16384xi32, #tpu.memory_space<hbm>>
    %dma_start3A_32 = tpu.memref_squeeze %dma_start3A_31 : memref<1x16384xi32, #tpu.memory_space<hbm>> -> memref<16384xi32, #tpu.memory_space<hbm>>
    %dma_start3A_33 = arith.constant 0 : i32
    %dma_start3A_34 = tpu.memref_slice %arg2[%select_n3A, %dma_start3A_33] : memref<16x16384xi32, #tpu.memory_space<hbm>> -> memref<1x16384xi32, #tpu.memory_space<hbm>>
    %dma_start3A_35 = tpu.memref_squeeze %dma_start3A_34 : memref<1x16384xi32, #tpu.memory_space<hbm>> -> memref<16384xi32, #tpu.memory_space<hbm>>
    tpu.enqueue_dma source(%dma_start3A_35 : memref<16384xi32, #tpu.memory_space<hbm>>) target(%arg6 : memref<16384xi32, #tpu.memory_space<vmem>>) target_semaphore(%arg10 : memref<!tpu.dma_semaphore, #tpu.memory_space<semaphore_mem>>)
    %dma_start3A_36 = arith.constant 0 : i32
    %dma_start3A_37 = tpu.memref_slice %arg4[%select_n3A, %dma_start3A_36] : memref<16x8192xf32, #tpu.memory_space<hbm>> -> memref<1x8192xf32, #tpu.memory_space<hbm>>
    %dma_start3A_38 = tpu.memref_squeeze %dma_start3A_37 : memref<1x8192xf32, #tpu.memory_space<hbm>> -> memref<8192xf32, #tpu.memory_space<hbm>>
    %dma_start3A_39 = arith.constant 0 : i32
    %dma_start3A_40 = tpu.memref_slice %arg4[%select_n3A, %dma_start3A_39] : memref<16x8192xf32, #tpu.memory_space<hbm>> -> memref<1x8192xf32, #tpu.memory_space<hbm>>
    %dma_start3A_41 = tpu.memref_squeeze %dma_start3A_40 : memref<1x8192xf32, #tpu.memory_space<hbm>> -> memref<8192xf32, #tpu.memory_space<hbm>>
    tpu.enqueue_dma source(%dma_start3A_41 : memref<8192xf32, #tpu.memory_space<hbm>>) target(%arg7 : memref<8192xf32, #tpu.memory_space<vmem>>) target_semaphore(%arg11 : memref<!tpu.dma_semaphore, #tpu.memory_space<semaphore_mem>>)
    tpu.enqueue_dma source(%arg3 : memref<16xi32, #tpu.memory_space<hbm>>) target(%arg8 : memref<16xi32, #tpu.memory_space<vmem>>) target_semaphore(%arg12 : memref<!tpu.dma_semaphore, #tpu.memory_space<semaphore_mem>>)
    %scan3A = arith.constant 0 : i32
    %scan3A_42 = arith.constant 0 : i32
    %scan3A_43 = arith.constant 256 : i32
    %scan3A_44 = arith.addi %scan3A_42, %scan3A_43 : i32
    %scan3A_45 = arith.constant 1 : i32
    %scan3A_46 = scf.for %scan3A_138 = %scan3A_42 to %scan3A_44 step %scan3A_45 iter_args(%scan3A_139 = %scan3A) -> (i32)  : i32 {
      %mul3A_140 = arith.constant 256 : i32
      %mul3A_141 = arith.muli %scan3A_138, %mul3A_140 : i32
      %broadcast_in_dim3A_142 = arith.constant 0.000000e+00 : f32
      %broadcast_in_dim3A_143 = vector.broadcast %broadcast_in_dim3A_142 : f32 to vector<16xf32>
      %add3A_144 = arith.constant 0 : i32
      %add3A_145 = arith.addi %mul3A_141, %add3A_144 : i32
      %swap3A = arith.index_cast %add3A_145 : i32 to index
      %swap3A_146 = tpu.vector_load %arg9[%swap3A] {strides = array<i32>} : memref<65536xf32, #tpu.memory_space<vmem>>, vector<16xf32>,
      tpu.vector_store %arg9[%swap3A], %broadcast_in_dim3A_143 {strides = array<i32>} : memref<65536xf32, #tpu.memory_space<vmem>>, vector<16xf32>,
      %broadcast_in_dim3A_147 = arith.constant 0.000000e+00 : f32
      %broadcast_in_dim3A_148 = vector.broadcast %broadcast_in_dim3A_147 : f32 to vector<16xf32>
      %add3A_149 = arith.constant 16 : i32
      %add3A_150 = arith.addi %mul3A_141, %add3A_149 : i32
      %swap3A_151 = arith.index_cast %add3A_150 : i32 to index
      %swap3A_152 = tpu.vector_load %arg9[%swap3A_151] {strides = array<i32>} : memref<65536xf32, #tpu.memory_space<vmem>>, vector<16xf32>,
      tpu.vector_store %arg9[%swap3A_151], %broadcast_in_dim3A_148 {strides = array<i32>} : memref<65536xf32, #tpu.memory_space<vmem>>, vector<16xf32>,
      %broadcast_in_dim3A_153 = arith.constant 0.000000e+00 : f32
      %broadcast_in_dim3A_154 = vector.broadcast %broadcast_in_dim3A_153 : f32 to vector<16xf32>
      %add3A_155 = arith.constant 32 : i32
      %add3A_156 = arith.addi %mul3A_141, %add3A_155 : i32
      %swap3A_157 = arith.index_cast %add3A_156 : i32 to index
      %swap3A_158 = tpu.vector_load %arg9[%swap3A_157] {strides = array<i32>} : memref<65536xf32, #tpu.memory_space<vmem>>, vector<16xf32>,
      tpu.vector_store %arg9[%swap3A_157], %broadcast_in_dim3A_154 {strides = array<i32>} : memref<65536xf32, #tpu.memory_space<vmem>>, vector<16xf32>,
      %broadcast_in_dim3A_159 = arith.constant 0.000000e+00 : f32
      %broadcast_in_dim3A_160 = vector.broadcast %broadcast_in_dim3A_159 : f32 to vector<16xf32>
      %add3A_161 = arith.constant 48 : i32
      %add3A_162 = arith.addi %mul3A_141, %add3A_161 : i32
      %swap3A_163 = arith.index_cast %add3A_162 : i32 to index
      %swap3A_164 = tpu.vector_load %arg9[%swap3A_163] {strides = array<i32>} : memref<65536xf32, #tpu.memory_space<vmem>>, vector<16xf32>,
      tpu.vector_store %arg9[%swap3A_163], %broadcast_in_dim3A_160 {strides = array<i32>} : memref<65536xf32, #tpu.memory_space<vmem>>, vector<16xf32>,
      %broadcast_in_dim3A_165 = arith.constant 0.000000e+00 : f32
      %broadcast_in_dim3A_166 = vector.broadcast %broadcast_in_dim3A_165 : f32 to vector<16xf32>
      %add3A_167 = arith.constant 64 : i32
      %add3A_168 = arith.addi %mul3A_141, %add3A_167 : i32
      %swap3A_169 = arith.index_cast %add3A_168 : i32 to index
      %swap3A_170 = tpu.vector_load %arg9[%swap3A_169] {strides = array<i32>} : memref<65536xf32, #tpu.memory_space<vmem>>, vector<16xf32>,
      tpu.vector_store %arg9[%swap3A_169], %broadcast_in_dim3A_166 {strides = array<i32>} : memref<65536xf32, #tpu.memory_space<vmem>>, vector<16xf32>,
      %broadcast_in_dim3A_171 = arith.constant 0.000000e+00 : f32
      %broadcast_in_dim3A_172 = vector.broadcast %broadcast_in_dim3A_171 : f32 to vector<16xf32>
      %add3A_173 = arith.constant 80 : i32
      %add3A_174 = arith.addi %mul3A_141, %add3A_173 : i32
      %swap3A_175 = arith.index_cast %add3A_174 : i32 to index
      %swap3A_176 = tpu.vector_load %arg9[%swap3A_175] {strides = array<i32>} : memref<65536xf32, #tpu.memory_space<vmem>>, vector<16xf32>,
      tpu.vector_store %arg9[%swap3A_175], %broadcast_in_dim3A_172 {strides = array<i32>} : memref<65536xf32, #tpu.memory_space<vmem>>, vector<16xf32>,
      %broadcast_in_dim3A_177 = arith.constant 0.000000e+00 : f32
      %broadcast_in_dim3A_178 = vector.broadcast %broadcast_in_dim3A_177 : f32 to vector<16xf32>
      %add3A_179 = arith.constant 96 : i32
      %add3A_180 = arith.addi %mul3A_141, %add3A_179 : i32
      %swap3A_181 = arith.index_cast %add3A_180 : i32 to index
      %swap3A_182 = tpu.vector_load %arg9[%swap3A_181] {strides = array<i32>} : memref<65536xf32, #tpu.memory_space<vmem>>, vector<16xf32>,
      tpu.vector_store %arg9[%swap3A_181], %broadcast_in_dim3A_178 {strides = array<i32>} : memref<65536xf32, #tpu.memory_space<vmem>>, vector<16xf32>,
      %broadcast_in_dim3A_183 = arith.constant 0.000000e+00 : f32
      %broadcast_in_dim3A_184 = vector.broadcast %broadcast_in_dim3A_183 : f32 to vector<16xf32>
      %add3A_185 = arith.constant 112 : i32
      %add3A_186 = arith.addi %mul3A_141, %add3A_185 : i32
      %swap3A_187 = arith.index_cast %add3A_186 : i32 to index
      %swap3A_188 = tpu.vector_load %arg9[%swap3A_187] {strides = array<i32>} : memref<65536xf32, #tpu.memory_space<vmem>>, vector<16xf32>,
      tpu.vector_store %arg9[%swap3A_187], %broadcast_in_dim3A_184 {strides = array<i32>} : memref<65536xf32, #tpu.memory_space<vmem>>, vector<16xf32>,
      %broadcast_in_dim3A_189 = arith.constant 0.000000e+00 : f32
      %broadcast_in_dim3A_190 = vector.broadcast %broadcast_in_dim3A_189 : f32 to vector<16xf32>
      %add3A_191 = arith.constant 128 : i32
      %add3A_192 = arith.addi %mul3A_141, %add3A_191 : i32
      %swap3A_193 = arith.index_cast %add3A_192 : i32 to index
      %swap3A_194 = tpu.vector_load %arg9[%swap3A_193] {strides = array<i32>} : memref<65536xf32, #tpu.memory_space<vmem>>, vector<16xf32>,
      tpu.vector_store %arg9[%swap3A_193], %broadcast_in_dim3A_190 {strides = array<i32>} : memref<65536xf32, #tpu.memory_space<vmem>>, vector<16xf32>,
      %broadcast_in_dim3A_195 = arith.constant 0.000000e+00 : f32
      %broadcast_in_dim3A_196 = vector.broadcast %broadcast_in_dim3A_195 : f32 to vector<16xf32>
      %add3A_197 = arith.constant 144 : i32
      %add3A_198 = arith.addi %mul3A_141, %add3A_197 : i32
      %swap3A_199 = arith.index_cast %add3A_198 : i32 to index
      %swap3A_200 = tpu.vector_load %arg9[%swap3A_199] {strides = array<i32>} : memref<65536xf32, #tpu.memory_space<vmem>>, vector<16xf32>,
      tpu.vector_store %arg9[%swap3A_199], %broadcast_in_dim3A_196 {strides = array<i32>} : memref<65536xf32, #tpu.memory_space<vmem>>, vector<16xf32>,
      %broadcast_in_dim3A_201 = arith.constant 0.000000e+00 : f32
      %broadcast_in_dim3A_202 = vector.broadcast %broadcast_in_dim3A_201 : f32 to vector<16xf32>
      %add3A_203 = arith.constant 160 : i32
      %add3A_204 = arith.addi %mul3A_141, %add3A_203 : i32
      %swap3A_205 = arith.index_cast %add3A_204 : i32 to index
      %swap3A_206 = tpu.vector_load %arg9[%swap3A_205] {strides = array<i32>} : memref<65536xf32, #tpu.memory_space<vmem>>, vector<16xf32>,
      tpu.vector_store %arg9[%swap3A_205], %broadcast_in_dim3A_202 {strides = array<i32>} : memref<65536xf32, #tpu.memory_space<vmem>>, vector<16xf32>,
      %broadcast_in_dim3A_207 = arith.constant 0.000000e+00 : f32
      %broadcast_in_dim3A_208 = vector.broadcast %broadcast_in_dim3A_207 : f32 to vector<16xf32>
      %add3A_209 = arith.constant 176 : i32
      %add3A_210 = arith.addi %mul3A_141, %add3A_209 : i32
      %swap3A_211 = arith.index_cast %add3A_210 : i32 to index
      %swap3A_212 = tpu.vector_load %arg9[%swap3A_211] {strides = array<i32>} : memref<65536xf32, #tpu.memory_space<vmem>>, vector<16xf32>,
      tpu.vector_store %arg9[%swap3A_211], %broadcast_in_dim3A_208 {strides = array<i32>} : memref<65536xf32, #tpu.memory_space<vmem>>, vector<16xf32>,
      %broadcast_in_dim3A_213 = arith.constant 0.000000e+00 : f32
      %broadcast_in_dim3A_214 = vector.broadcast %broadcast_in_dim3A_213 : f32 to vector<16xf32>
      %add3A_215 = arith.constant 192 : i32
      %add3A_216 = arith.addi %mul3A_141, %add3A_215 : i32
      %swap3A_217 = arith.index_cast %add3A_216 : i32 to index
      %swap3A_218 = tpu.vector_load %arg9[%swap3A_217] {strides = array<i32>} : memref<65536xf32, #tpu.memory_space<vmem>>, vector<16xf32>,
      tpu.vector_store %arg9[%swap3A_217], %broadcast_in_dim3A_214 {strides = array<i32>} : memref<65536xf32, #tpu.memory_space<vmem>>, vector<16xf32>,
      %broadcast_in_dim3A_219 = arith.constant 0.000000e+00 : f32
      %broadcast_in_dim3A_220 = vector.broadcast %broadcast_in_dim3A_219 : f32 to vector<16xf32>
      %add3A_221 = arith.constant 208 : i32
      %add3A_222 = arith.addi %mul3A_141, %add3A_221 : i32
      %swap3A_223 = arith.index_cast %add3A_222 : i32 to index
      %swap3A_224 = tpu.vector_load %arg9[%swap3A_223] {strides = array<i32>} : memref<65536xf32, #tpu.memory_space<vmem>>, vector<16xf32>,
      tpu.vector_store %arg9[%swap3A_223], %broadcast_in_dim3A_220 {strides = array<i32>} : memref<65536xf32, #tpu.memory_space<vmem>>, vector<16xf32>,
      %broadcast_in_dim3A_225 = arith.constant 0.000000e+00 : f32
      %broadcast_in_dim3A_226 = vector.broadcast %broadcast_in_dim3A_225 : f32 to vector<16xf32>
      %add3A_227 = arith.constant 224 : i32
      %add3A_228 = arith.addi %mul3A_141, %add3A_227 : i32
      %swap3A_229 = arith.index_cast %add3A_228 : i32 to index
      %swap3A_230 = tpu.vector_load %arg9[%swap3A_229] {strides = array<i32>} : memref<65536xf32, #tpu.memory_space<vmem>>, vector<16xf32>,
      tpu.vector_store %arg9[%swap3A_229], %broadcast_in_dim3A_226 {strides = array<i32>} : memref<65536xf32, #tpu.memory_space<vmem>>, vector<16xf32>,
      %broadcast_in_dim3A_231 = arith.constant 0.000000e+00 : f32
      %broadcast_in_dim3A_232 = vector.broadcast %broadcast_in_dim3A_231 : f32 to vector<16xf32>
      %add3A_233 = arith.constant 240 : i32
      %add3A_234 = arith.addi %mul3A_141, %add3A_233 : i32
      %swap3A_235 = arith.index_cast %add3A_234 : i32 to index
      %swap3A_236 = tpu.vector_load %arg9[%swap3A_235] {strides = array<i32>} : memref<65536xf32, #tpu.memory_space<vmem>>, vector<16xf32>,
      tpu.vector_store %arg9[%swap3A_235], %broadcast_in_dim3A_232 {strides = array<i32>} : memref<65536xf32, #tpu.memory_space<vmem>>, vector<16xf32>,
      %scan3A_237 = arith.constant 0 : i32
      scf.yield %scan3A_237 : i32
    }
    %scan3A_47 = arith.constant 256 : i32
    tpu.wait_dma2 semaphore(%arg12 : memref<!tpu.dma_semaphore, #tpu.memory_space<semaphore_mem>>) src(%arg3 : memref<16xi32, #tpu.memory_space<hbm>>) dst(%arg8 : memref<16xi32, #tpu.memory_space<vmem>>)
    %dma_wait3A = arith.constant 0 : i32
    %dma_wait3A_48 = tpu.memref_slice %arg2[%select_n3A, %dma_wait3A] : memref<16x16384xi32, #tpu.memory_space<hbm>> -> memref<1x16384xi32, #tpu.memory_space<hbm>>
    %dma_wait3A_49 = tpu.memref_squeeze %dma_wait3A_48 : memref<1x16384xi32, #tpu.memory_space<hbm>> -> memref<16384xi32, #tpu.memory_space<hbm>>
    %dma_wait3A_50 = arith.constant 0 : i32
    %dma_wait3A_51 = tpu.memref_slice %arg2[%select_n3A, %dma_wait3A_50] : memref<16x16384xi32, #tpu.memory_space<hbm>> -> memref<1x16384xi32, #tpu.memory_space<hbm>>
    %dma_wait3A_52 = tpu.memref_squeeze %dma_wait3A_51 : memref<1x16384xi32, #tpu.memory_space<hbm>> -> memref<16384xi32, #tpu.memory_space<hbm>>
    tpu.wait_dma2 semaphore(%arg10 : memref<!tpu.dma_semaphore, #tpu.memory_space<semaphore_mem>>) src(%dma_wait3A_52 : memref<16384xi32, #tpu.memory_space<hbm>>) dst(%arg6 : memref<16384xi32, #tpu.memory_space<vmem>>)
    %dma_wait3A_53 = arith.constant 0 : i32
    %dma_wait3A_54 = tpu.memref_slice %arg4[%select_n3A, %dma_wait3A_53] : memref<16x8192xf32, #tpu.memory_space<hbm>> -> memref<1x8192xf32, #tpu.memory_space<hbm>>
    %dma_wait3A_55 = tpu.memref_squeeze %dma_wait3A_54 : memref<1x8192xf32, #tpu.memory_space<hbm>> -> memref<8192xf32, #tpu.memory_space<hbm>>
    %dma_wait3A_56 = arith.constant 0 : i32
    %dma_wait3A_57 = tpu.memref_slice %arg4[%select_n3A, %dma_wait3A_56] : memref<16x8192xf32, #tpu.memory_space<hbm>> -> memref<1x8192xf32, #tpu.memory_space<hbm>>
    %dma_wait3A_58 = tpu.memref_squeeze %dma_wait3A_57 : memref<1x8192xf32, #tpu.memory_space<hbm>> -> memref<8192xf32, #tpu.memory_space<hbm>>
    tpu.wait_dma2 semaphore(%arg11 : memref<!tpu.dma_semaphore, #tpu.memory_space<semaphore_mem>>) src(%dma_wait3A_58 : memref<8192xf32, #tpu.memory_space<hbm>>) dst(%arg7 : memref<8192xf32, #tpu.memory_space<vmem>>)
    %iota3A = tpu.iota {dimensions = array<i32: 0>} : vector<16xi32>
    %broadcast_in_dim3A = vector.broadcast %select_n3A : i32 to vector<16xi32>
    %gather3A = tpu.vector_load_idx %arg8[%broadcast_in_dim3A] : memref<16xi32, #tpu.memory_space<vmem>>[vector<16xi32>], vector<16xi32>,
    %reduce_max3A = arith.constant true
    %reduce_max3A_59 = vector.broadcast %reduce_max3A : i1 to vector<16xi1>
    %reduce_max3A_60 = arith.constant -2147483648 : i32
    %reduce_max3A_61 = vector.broadcast %reduce_max3A_60 : i32 to vector<16xi32>
    %reduce_max3A_62 = arith.xori %gather3A, %reduce_max3A_61 : vector<16xi32>
    %reduce_max3A_63 = tpu.scan <max>, %reduce_max3A_62 masked %reduce_max3A_59 : vector<16xi32>, vector<16xi1> -> vector<16xi32>
    %reduce_max3A_64 = arith.xori %reduce_max3A_63, %reduce_max3A_61 : vector<16xi32>
    %reduce_max3A_65 = vector.extract %reduce_max3A_64[15] : i32 from vector<16xi32>
    %add3A_66 = arith.constant 31 : i32
    %add3A_67 = arith.addi %reduce_max3A_65, %add3A_66 : i32
    %jit3A_68 = arith.constant 32 : i32
    %div3A_69 = arith.divsi %add3A_67, %jit3A_68 : i32
    %sign3A_70 = arith.constant 0 : i32
    %sign3A_71 = arith.cmpi sgt, %add3A_67, %sign3A_70 : i32
    %sign3A_72 = arith.extui %sign3A_71 : i1 to i32
    %sign3A_73 = arith.constant 0 : i32
    %sign3A_74 = arith.cmpi slt, %add3A_67, %sign3A_73 : i32
    %sign3A_75 = arith.extui %sign3A_74 : i1 to i32
    %sign3A_76 = arith.subi %sign3A_72, %sign3A_75 : i32
    %sign3A_77 = arith.constant 0 : i32
    %sign3A_78 = arith.cmpi sgt, %jit3A_68, %sign3A_77 : i32
    %sign3A_79 = arith.extui %sign3A_78 : i1 to i32
    %sign3A_80 = arith.constant 0 : i32
    %sign3A_81 = arith.cmpi slt, %jit3A_68, %sign3A_80 : i32
    %sign3A_82 = arith.extui %sign3A_81 : i1 to i32
    %sign3A_83 = arith.subi %sign3A_79, %sign3A_82 : i32
    %ne3A_84 = arith.cmpi ne, %sign3A_76, %sign3A_83 : i32
    %rem3A_85 = arith.remsi %add3A_67, %jit3A_68 : i32
    %ne3A_86 = arith.constant 0 : i32
    %ne3A_87 = arith.cmpi ne, %rem3A_85, %ne3A_86 : i32
    %and3A_88 = arith.andi %ne3A_84, %ne3A_87 : i1
    %sub3A_89 = arith.constant 1 : i32
    %sub3A_90 = arith.subi %div3A_69, %sub3A_89 : i32
    %select_n3A_91 = arith.select %and3A_88, %sub3A_90, %div3A_69 : i32
    %mul3A_92 = arith.constant 2 : i32
    %mul3A_93 = arith.muli %select_n3A_30, %mul3A_92 : i32
    %add3A_94 = arith.constant 0 : i32
    %add3A_95 = arith.addi %mul3A_93, %add3A_94 : i32
    %mul3A_96 = arith.constant 128 : i32
    %mul3A_97 = arith.muli %add3A_95, %mul3A_96 : i32
    %while3A = arith.constant 0 : i32
    %while3A_98 = arith.constant 0 : i32
    %while3A_99 = arith.subi %select_n3A_91, %while3A : i32
    %while3A_100 = arith.addi %while3A, %while3A_99 : i32
    %while3A_101 = arith.constant 1 : i32
    %while3A_102 = arith.divsi %while3A_99, %while3A_101 : i32
    %while3A_103 = arith.muli %while3A_102, %while3A_101 : i32
    %while3A_104 = arith.addi %while3A, %while3A_103 : i32
    %while3A_105 = arith.constant 1 : i32
    %while3A_106 = scf.for %while3A_138 = %while3A to %while3A_104 step %while3A_105 iter_args(%while3A_139 = %while3A_98) -> (i32)  : i32 {
      %mul3A_140 = arith.constant 2 : i32
      %mul3A_141 = arith.muli %while3A_138, %mul3A_140 : i32
      %add3A_142 = arith.constant 0 : i32
      %add3A_143 = arith.addi %mul3A_141, %add3A_142 : i32
      %mul3A_144 = arith.constant 16 : i32
      %mul3A_145 = arith.muli %add3A_143, %mul3A_144 : i32
      %add3A_146 = vector.broadcast %mul3A_145 : i32 to vector<16xi32>
      %add3A_147 = arith.addi %add3A_146, %iota3A : vector<16xi32>
      %shift_right_arithmetic3A = arith.constant 7 : i32
      %shift_right_arithmetic3A_148 = vector.broadcast %shift_right_arithmetic3A : i32 to vector<16xi32>
      %shift_right_arithmetic3A_149 = arith.shrsi %add3A_147, %shift_right_arithmetic3A_148 : vector<16xi32>
      %shift_left3A = arith.constant 8 : i32
      %shift_left3A_150 = vector.broadcast %shift_left3A : i32 to vector<16xi32>
      %shift_left3A_151 = arith.shli %shift_right_arithmetic3A_149, %shift_left3A_150 : vector<16xi32>
      %and3A_152 = arith.constant 127 : i32
      %and3A_153 = vector.broadcast %and3A_152 : i32 to vector<16xi32>
      %and3A_154 = arith.andi %add3A_147, %and3A_153 : vector<16xi32>
      %add3A_155 = arith.addi %shift_left3A_151, %and3A_154 : vector<16xi32>
      %gather3A_156 = tpu.vector_load_idx %arg6[%add3A_155] : memref<16384xi32, #tpu.memory_space<vmem>>[vector<16xi32>], vector<16xi32>,
      %add3A_157 = arith.constant 128 : i32
      %add3A_158 = vector.broadcast %add3A_157 : i32 to vector<16xi32>
      %add3A_159 = arith.addi %add3A_155, %add3A_158 : vector<16xi32>
      %gather3A_160 = tpu.vector_load_idx %arg6[%add3A_159] : memref<16384xi32, #tpu.memory_space<vmem>>[vector<16xi32>], vector<16xi32>,
      %get3A = arith.index_cast %mul3A_145 : i32 to index
      %get3A_161 = tpu.vector_load %arg7[%get3A] {strides = array<i32>} : memref<8192xf32, #tpu.memory_space<vmem>>, vector<16xf32>,
      %sub3A_162 = vector.broadcast %mul3A_97 : i32 to vector<16xi32>
      %sub3A_163 = arith.subi %gather3A_156, %sub3A_162 : vector<16xi32>
      %lt3A_164 = arith.cmpi slt, %add3A_147, %gather3A : vector<16xi32>
      %ge3A = arith.constant 0 : i32
      %ge3A_165 = vector.broadcast %ge3A : i32 to vector<16xi32>
      %ge3A_166 = arith.cmpi sge, %sub3A_163, %ge3A_165 : vector<16xi32>
      %and3A_167 = arith.andi %lt3A_164, %ge3A_166 : vector<16xi1>
      %lt3A_168 = arith.constant 128 : i32
      %lt3A_169 = vector.broadcast %lt3A_168 : i32 to vector<16xi32>
      %lt3A_170 = arith.cmpi slt, %sub3A_163, %lt3A_169 : vector<16xi32>
      %and3A_171 = arith.andi %and3A_167, %lt3A_170 : vector<16xi1>
      %jit3A_172 = arith.constant 0 : i32
      %broadcast_in_dim3A_173 = vector.broadcast %jit3A_172 : i32 to vector<16xi32>
      %select_n3A_174 = arith.select %and3A_171, %sub3A_163, %broadcast_in_dim3A_173 : vector<16xi1>, vector<16xi32>
      %shift_right_arithmetic3A_175 = arith.constant 3 : i32
      %shift_right_arithmetic3A_176 = vector.broadcast %shift_right_arithmetic3A_175 : i32 to vector<16xi32>
      %shift_right_arithmetic3A_177 = arith.shrsi %select_n3A_174, %shift_right_arithmetic3A_176 : vector<16xi32>
      %shift_left3A_178 = arith.constant 12 : i32
      %shift_left3A_179 = vector.broadcast %shift_left3A_178 : i32 to vector<16xi32>
      %shift_left3A_180 = arith.shli %shift_right_arithmetic3A_177, %shift_left3A_179 : vector<16xi32>
      %shift_right_arithmetic3A_181 = arith.constant 7 : i32
      %shift_right_arithmetic3A_182 = vector.broadcast %shift_right_arithmetic3A_181 : i32 to vector<16xi32>
      %shift_right_arithmetic3A_183 = arith.shrsi %gather3A_160, %shift_right_arithmetic3A_182 : vector<16xi32>
      %shift_left3A_184 = arith.constant 10 : i32
      %shift_left3A_185 = vector.broadcast %shift_left3A_184 : i32 to vector<16xi32>
      %shift_left3A_186 = arith.shli %shift_right_arithmetic3A_183, %shift_left3A_185 : vector<16xi32>
      %add3A_187 = arith.addi %shift_left3A_180, %shift_left3A_186 : vector<16xi32>
      %and3A_188 = arith.constant 7 : i32
      %and3A_189 = vector.broadcast %and3A_188 : i32 to vector<16xi32>
      %and3A_190 = arith.andi %select_n3A_174, %and3A_189 : vector<16xi32>
      %shift_left3A_191 = arith.constant 7 : i32
      %shift_left3A_192 = vector.broadcast %shift_left3A_191 : i32 to vector<16xi32>
      %shift_left3A_193 = arith.shli %and3A_190, %shift_left3A_192 : vector<16xi32>
      %add3A_194 = arith.addi %add3A_187, %shift_left3A_193 : vector<16xi32>
      %and3A_195 = arith.constant 127 : i32
      %and3A_196 = vector.broadcast %and3A_195 : i32 to vector<16xi32>
      %and3A_197 = arith.andi %gather3A_160, %and3A_196 : vector<16xi32>
      %add3A_198 = arith.addi %add3A_194, %and3A_197 : vector<16xi32>
      tpu.vector_store_idx %arg9[%add3A_198], %get3A_161 masked %and3A_171 : memref<65536xf32, #tpu.memory_space<vmem>>[vector<16xi32>], vector<16xf32>, vector<16xi1>
      %mul3A_199 = arith.constant 2 : i32
      %mul3A_200 = arith.muli %while3A_138, %mul3A_199 : i32
      %add3A_201 = arith.constant 1 : i32
      %add3A_202 = arith.addi %mul3A_200, %add3A_201 : i32
      %mul3A_203 = arith.constant 16 : i32
      %mul3A_204 = arith.muli %add3A_202, %mul3A_203 : i32
      %add3A_205 = vector.broadcast %mul3A_204 : i32 to vector<16xi32>
      %add3A_206 = arith.addi %add3A_205, %iota3A : vector<16xi32>
      %shift_right_arithmetic3A_207 = arith.constant 7 : i32
      %shift_right_arithmetic3A_208 = vector.broadcast %shift_right_arithmetic3A_207 : i32 to vector<16xi32>
      %shift_right_arithmetic3A_209 = arith.shrsi %add3A_206, %shift_right_arithmetic3A_208 : vector<16xi32>
      %shift_left3A_210 = arith.constant 8 : i32
      %shift_left3A_211 = vector.broadcast %shift_left3A_210 : i32 to vector<16xi32>
      %shift_left3A_212 = arith.shli %shift_right_arithmetic3A_209, %shift_left3A_211 : vector<16xi32>
      %and3A_213 = arith.constant 127 : i32
      %and3A_214 = vector.broadcast %and3A_213 : i32 to vector<16xi32>
      %and3A_215 = arith.andi %add3A_206, %and3A_214 : vector<16xi32>
      %add3A_216 = arith.addi %shift_left3A_212, %and3A_215 : vector<16xi32>
      %gather3A_217 = tpu.vector_load_idx %arg6[%add3A_216] : memref<16384xi32, #tpu.memory_space<vmem>>[vector<16xi32>], vector<16xi32>,
      %add3A_218 = arith.constant 128 : i32
      %add3A_219 = vector.broadcast %add3A_218 : i32 to vector<16xi32>
      %add3A_220 = arith.addi %add3A_216, %add3A_219 : vector<16xi32>
      %gather3A_221 = tpu.vector_load_idx %arg6[%add3A_220] : memref<16384xi32, #tpu.memory_space<vmem>>[vector<16xi32>], vector<16xi32>,
      %get3A_222 = arith.index_cast %mul3A_204 : i32 to index
      %get3A_223 = tpu.vector_load %arg7[%get3A_222] {strides = array<i32>} : memref<8192xf32, #tpu.memory_space<vmem>>, vector<16xf32>,
      %sub3A_224 = vector.broadcast %mul3A_97 : i32 to vector<16xi32>
      %sub3A_225 = arith.subi %gather3A_217, %sub3A_224 : vector<16xi32>
      %lt3A_226 = arith.cmpi slt, %add3A_206, %gather3A : vector<16xi32>
      %ge3A_227 = arith.constant 0 : i32
      %ge3A_228 = vector.broadcast %ge3A_227 : i32 to vector<16xi32>
      %ge3A_229 = arith.cmpi sge, %sub3A_225, %ge3A_228 : vector<16xi32>
      %and3A_230 = arith.andi %lt3A_226, %ge3A_229 : vector<16xi1>
      %lt3A_231 = arith.constant 128 : i32
      %lt3A_232 = vector.broadcast %lt3A_231 : i32 to vector<16xi32>
      %lt3A_233 = arith.cmpi slt, %sub3A_225, %lt3A_232 : vector<16xi32>
      %and3A_234 = arith.andi %and3A_230, %lt3A_233 : vector<16xi1>
      %jit3A_235 = arith.constant 0 : i32
      %broadcast_in_dim3A_236 = vector.broadcast %jit3A_235 : i32 to vector<16xi32>
      %select_n3A_237 = arith.select %and3A_234, %sub3A_225, %broadcast_in_dim3A_236 : vector<16xi1>, vector<16xi32>
      %shift_right_arithmetic3A_238 = arith.constant 3 : i32
      %shift_right_arithmetic3A_239 = vector.broadcast %shift_right_arithmetic3A_238 : i32 to vector<16xi32>
      %shift_right_arithmetic3A_240 = arith.shrsi %select_n3A_237, %shift_right_arithmetic3A_239 : vector<16xi32>
      %shift_left3A_241 = arith.constant 12 : i32
      %shift_left3A_242 = vector.broadcast %shift_left3A_241 : i32 to vector<16xi32>
      %shift_left3A_243 = arith.shli %shift_right_arithmetic3A_240, %shift_left3A_242 : vector<16xi32>
      %shift_right_arithmetic3A_244 = arith.constant 7 : i32
      %shift_right_arithmetic3A_245 = vector.broadcast %shift_right_arithmetic3A_244 : i32 to vector<16xi32>
      %shift_right_arithmetic3A_246 = arith.shrsi %gather3A_221, %shift_right_arithmetic3A_245 : vector<16xi32>
      %shift_left3A_247 = arith.constant 10 : i32
      %shift_left3A_248 = vector.broadcast %shift_left3A_247 : i32 to vector<16xi32>
      %shift_left3A_249 = arith.shli %shift_right_arithmetic3A_246, %shift_left3A_248 : vector<16xi32>
      %add3A_250 = arith.addi %shift_left3A_243, %shift_left3A_249 : vector<16xi32>
      %and3A_251 = arith.constant 7 : i32
      %and3A_252 = vector.broadcast %and3A_251 : i32 to vector<16xi32>
      %and3A_253 = arith.andi %select_n3A_237, %and3A_252 : vector<16xi32>
      %shift_left3A_254 = arith.constant 7 : i32
      %shift_left3A_255 = vector.broadcast %shift_left3A_254 : i32 to vector<16xi32>
      %shift_left3A_256 = arith.shli %and3A_253, %shift_left3A_255 : vector<16xi32>
      %add3A_257 = arith.addi %add3A_250, %shift_left3A_256 : vector<16xi32>
      %and3A_258 = arith.constant 127 : i32
      %and3A_259 = vector.broadcast %and3A_258 : i32 to vector<16xi32>
      %and3A_260 = arith.andi %gather3A_221, %and3A_259 : vector<16xi32>
      %add3A_261 = arith.addi %add3A_257, %and3A_260 : vector<16xi32>
      tpu.vector_store_idx %arg9[%add3A_261], %get3A_223 masked %and3A_234 : memref<65536xf32, #tpu.memory_space<vmem>>[vector<16xi32>], vector<16xf32>, vector<16xi1>
      %while3A_262 = arith.constant 0 : i32
      scf.yield %while3A_262 : i32
    }
    %while3A_107 = arith.constant 1 : i32
    %while3A_108 = scf.for %while3A_138 = %while3A_104 to %while3A_100 step %while3A_107 iter_args(%while3A_139 = %while3A_106) -> (i32)  : i32 {
      %mul3A_140 = arith.constant 2 : i32
      %mul3A_141 = arith.muli %while3A_138, %mul3A_140 : i32
      %add3A_142 = arith.constant 0 : i32
      %add3A_143 = arith.addi %mul3A_141, %add3A_142 : i32
      %mul3A_144 = arith.constant 16 : i32
      %mul3A_145 = arith.muli %add3A_143, %mul3A_144 : i32
      %add3A_146 = vector.broadcast %mul3A_145 : i32 to vector<16xi32>
      %add3A_147 = arith.addi %add3A_146, %iota3A : vector<16xi32>
      %shift_right_arithmetic3A = arith.constant 7 : i32
      %shift_right_arithmetic3A_148 = vector.broadcast %shift_right_arithmetic3A : i32 to vector<16xi32>
      %shift_right_arithmetic3A_149 = arith.shrsi %add3A_147, %shift_right_arithmetic3A_148 : vector<16xi32>
      %shift_left3A = arith.constant 8 : i32
      %shift_left3A_150 = vector.broadcast %shift_left3A : i32 to vector<16xi32>
      %shift_left3A_151 = arith.shli %shift_right_arithmetic3A_149, %shift_left3A_150 : vector<16xi32>
      %and3A_152 = arith.constant 127 : i32
      %and3A_153 = vector.broadcast %and3A_152 : i32 to vector<16xi32>
      %and3A_154 = arith.andi %add3A_147, %and3A_153 : vector<16xi32>
      %add3A_155 = arith.addi %shift_left3A_151, %and3A_154 : vector<16xi32>
      %gather3A_156 = tpu.vector_load_idx %arg6[%add3A_155] : memref<16384xi32, #tpu.memory_space<vmem>>[vector<16xi32>], vector<16xi32>,
      %add3A_157 = arith.constant 128 : i32
      %add3A_158 = vector.broadcast %add3A_157 : i32 to vector<16xi32>
      %add3A_159 = arith.addi %add3A_155, %add3A_158 : vector<16xi32>
      %gather3A_160 = tpu.vector_load_idx %arg6[%add3A_159] : memref<16384xi32, #tpu.memory_space<vmem>>[vector<16xi32>], vector<16xi32>,
      %get3A = arith.index_cast %mul3A_145 : i32 to index
      %get3A_161 = tpu.vector_load %arg7[%get3A] {strides = array<i32>} : memref<8192xf32, #tpu.memory_space<vmem>>, vector<16xf32>,
      %sub3A_162 = vector.broadcast %mul3A_97 : i32 to vector<16xi32>
      %sub3A_163 = arith.subi %gather3A_156, %sub3A_162 : vector<16xi32>
      %lt3A_164 = arith.cmpi slt, %add3A_147, %gather3A : vector<16xi32>
      %ge3A = arith.constant 0 : i32
      %ge3A_165 = vector.broadcast %ge3A : i32 to vector<16xi32>
      %ge3A_166 = arith.cmpi sge, %sub3A_163, %ge3A_165 : vector<16xi32>
      %and3A_167 = arith.andi %lt3A_164, %ge3A_166 : vector<16xi1>
      %lt3A_168 = arith.constant 128 : i32
      %lt3A_169 = vector.broadcast %lt3A_168 : i32 to vector<16xi32>
      %lt3A_170 = arith.cmpi slt, %sub3A_163, %lt3A_169 : vector<16xi32>
      %and3A_171 = arith.andi %and3A_167, %lt3A_170 : vector<16xi1>
      %jit3A_172 = arith.constant 0 : i32
      %broadcast_in_dim3A_173 = vector.broadcast %jit3A_172 : i32 to vector<16xi32>
      %select_n3A_174 = arith.select %and3A_171, %sub3A_163, %broadcast_in_dim3A_173 : vector<16xi1>, vector<16xi32>
      %shift_right_arithmetic3A_175 = arith.constant 3 : i32
      %shift_right_arithmetic3A_176 = vector.broadcast %shift_right_arithmetic3A_175 : i32 to vector<16xi32>
      %shift_right_arithmetic3A_177 = arith.shrsi %select_n3A_174, %shift_right_arithmetic3A_176 : vector<16xi32>
      %shift_left3A_178 = arith.constant 12 : i32
      %shift_left3A_179 = vector.broadcast %shift_left3A_178 : i32 to vector<16xi32>
      %shift_left3A_180 = arith.shli %shift_right_arithmetic3A_177, %shift_left3A_179 : vector<16xi32>
      %shift_right_arithmetic3A_181 = arith.constant 7 : i32
      %shift_right_arithmetic3A_182 = vector.broadcast %shift_right_arithmetic3A_181 : i32 to vector<16xi32>
      %shift_right_arithmetic3A_183 = arith.shrsi %gather3A_160, %shift_right_arithmetic3A_182 : vector<16xi32>
      %shift_left3A_184 = arith.constant 10 : i32
      %shift_left3A_185 = vector.broadcast %shift_left3A_184 : i32 to vector<16xi32>
      %shift_left3A_186 = arith.shli %shift_right_arithmetic3A_183, %shift_left3A_185 : vector<16xi32>
      %add3A_187 = arith.addi %shift_left3A_180, %shift_left3A_186 : vector<16xi32>
      %and3A_188 = arith.constant 7 : i32
      %and3A_189 = vector.broadcast %and3A_188 : i32 to vector<16xi32>
      %and3A_190 = arith.andi %select_n3A_174, %and3A_189 : vector<16xi32>
      %shift_left3A_191 = arith.constant 7 : i32
      %shift_left3A_192 = vector.broadcast %shift_left3A_191 : i32 to vector<16xi32>
      %shift_left3A_193 = arith.shli %and3A_190, %shift_left3A_192 : vector<16xi32>
      %add3A_194 = arith.addi %add3A_187, %shift_left3A_193 : vector<16xi32>
      %and3A_195 = arith.constant 127 : i32
      %and3A_196 = vector.broadcast %and3A_195 : i32 to vector<16xi32>
      %and3A_197 = arith.andi %gather3A_160, %and3A_196 : vector<16xi32>
      %add3A_198 = arith.addi %add3A_194, %and3A_197 : vector<16xi32>
      tpu.vector_store_idx %arg9[%add3A_198], %get3A_161 masked %and3A_171 : memref<65536xf32, #tpu.memory_space<vmem>>[vector<16xi32>], vector<16xf32>, vector<16xi1>
      %mul3A_199 = arith.constant 2 : i32
      %mul3A_200 = arith.muli %while3A_138, %mul3A_199 : i32
      %add3A_201 = arith.constant 1 : i32
      %add3A_202 = arith.addi %mul3A_200, %add3A_201 : i32
      %mul3A_203 = arith.constant 16 : i32
      %mul3A_204 = arith.muli %add3A_202, %mul3A_203 : i32
      %add3A_205 = vector.broadcast %mul3A_204 : i32 to vector<16xi32>
      %add3A_206 = arith.addi %add3A_205, %iota3A : vector<16xi32>
      %shift_right_arithmetic3A_207 = arith.constant 7 : i32
      %shift_right_arithmetic3A_208 = vector.broadcast %shift_right_arithmetic3A_207 : i32 to vector<16xi32>
      %shift_right_arithmetic3A_209 = arith.shrsi %add3A_206, %shift_right_arithmetic3A_208 : vector<16xi32>
      %shift_left3A_210 = arith.constant 8 : i32
      %shift_left3A_211 = vector.broadcast %shift_left3A_210 : i32 to vector<16xi32>
      %shift_left3A_212 = arith.shli %shift_right_arithmetic3A_209, %shift_left3A_211 : vector<16xi32>
      %and3A_213 = arith.constant 127 : i32
      %and3A_214 = vector.broadcast %and3A_213 : i32 to vector<16xi32>
      %and3A_215 = arith.andi %add3A_206, %and3A_214 : vector<16xi32>
      %add3A_216 = arith.addi %shift_left3A_212, %and3A_215 : vector<16xi32>
      %gather3A_217 = tpu.vector_load_idx %arg6[%add3A_216] : memref<16384xi32, #tpu.memory_space<vmem>>[vector<16xi32>], vector<16xi32>,
      %add3A_218 = arith.constant 128 : i32
      %add3A_219 = vector.broadcast %add3A_218 : i32 to vector<16xi32>
      %add3A_220 = arith.addi %add3A_216, %add3A_219 : vector<16xi32>
      %gather3A_221 = tpu.vector_load_idx %arg6[%add3A_220] : memref<16384xi32, #tpu.memory_space<vmem>>[vector<16xi32>], vector<16xi32>,
      %get3A_222 = arith.index_cast %mul3A_204 : i32 to index
      %get3A_223 = tpu.vector_load %arg7[%get3A_222] {strides = array<i32>} : memref<8192xf32, #tpu.memory_space<vmem>>, vector<16xf32>,
      %sub3A_224 = vector.broadcast %mul3A_97 : i32 to vector<16xi32>
      %sub3A_225 = arith.subi %gather3A_217, %sub3A_224 : vector<16xi32>
      %lt3A_226 = arith.cmpi slt, %add3A_206, %gather3A : vector<16xi32>
      %ge3A_227 = arith.constant 0 : i32
      %ge3A_228 = vector.broadcast %ge3A_227 : i32 to vector<16xi32>
      %ge3A_229 = arith.cmpi sge, %sub3A_225, %ge3A_228 : vector<16xi32>
      %and3A_230 = arith.andi %lt3A_226, %ge3A_229 : vector<16xi1>
      %lt3A_231 = arith.constant 128 : i32
      %lt3A_232 = vector.broadcast %lt3A_231 : i32 to vector<16xi32>
      %lt3A_233 = arith.cmpi slt, %sub3A_225, %lt3A_232 : vector<16xi32>
      %and3A_234 = arith.andi %and3A_230, %lt3A_233 : vector<16xi1>
      %jit3A_235 = arith.constant 0 : i32
      %broadcast_in_dim3A_236 = vector.broadcast %jit3A_235 : i32 to vector<16xi32>
      %select_n3A_237 = arith.select %and3A_234, %sub3A_225, %broadcast_in_dim3A_236 : vector<16xi1>, vector<16xi32>
      %shift_right_arithmetic3A_238 = arith.constant 3 : i32
      %shift_right_arithmetic3A_239 = vector.broadcast %shift_right_arithmetic3A_238 : i32 to vector<16xi32>
      %shift_right_arithmetic3A_240 = arith.shrsi %select_n3A_237, %shift_right_arithmetic3A_239 : vector<16xi32>
      %shift_left3A_241 = arith.constant 12 : i32
      %shift_left3A_242 = vector.broadcast %shift_left3A_241 : i32 to vector<16xi32>
      %shift_left3A_243 = arith.shli %shift_right_arithmetic3A_240, %shift_left3A_242 : vector<16xi32>
      %shift_right_arithmetic3A_244 = arith.constant 7 : i32
      %shift_right_arithmetic3A_245 = vector.broadcast %shift_right_arithmetic3A_244 : i32 to vector<16xi32>
      %shift_right_arithmetic3A_246 = arith.shrsi %gather3A_221, %shift_right_arithmetic3A_245 : vector<16xi32>
      %shift_left3A_247 = arith.constant 10 : i32
      %shift_left3A_248 = vector.broadcast %shift_left3A_247 : i32 to vector<16xi32>
      %shift_left3A_249 = arith.shli %shift_right_arithmetic3A_246, %shift_left3A_248 : vector<16xi32>
      %add3A_250 = arith.addi %shift_left3A_243, %shift_left3A_249 : vector<16xi32>
      %and3A_251 = arith.constant 7 : i32
      %and3A_252 = vector.broadcast %and3A_251 : i32 to vector<16xi32>
      %and3A_253 = arith.andi %select_n3A_237, %and3A_252 : vector<16xi32>
      %shift_left3A_254 = arith.constant 7 : i32
      %shift_left3A_255 = vector.broadcast %shift_left3A_254 : i32 to vector<16xi32>
      %shift_left3A_256 = arith.shli %and3A_253, %shift_left3A_255 : vector<16xi32>
      %add3A_257 = arith.addi %add3A_250, %shift_left3A_256 : vector<16xi32>
      %and3A_258 = arith.constant 127 : i32
      %and3A_259 = vector.broadcast %and3A_258 : i32 to vector<16xi32>
      %and3A_260 = arith.andi %gather3A_221, %and3A_259 : vector<16xi32>
      %add3A_261 = arith.addi %add3A_257, %and3A_260 : vector<16xi32>
      tpu.vector_store_idx %arg9[%add3A_261], %get3A_223 masked %and3A_234 : memref<65536xf32, #tpu.memory_space<vmem>>[vector<16xi32>], vector<16xf32>, vector<16xi1>
      %while3A_262 = arith.constant 0 : i32
      scf.yield %while3A_262 : i32
    }
    %mul3A_109 = arith.constant 512 : i32
    %mul3A_110 = arith.muli %mul3A_97, %mul3A_109 : i32
    "tpu.region"() ({
      %run_scoped3A = tpu.sem_alloc : memref<!tpu.dma_semaphore, #tpu.memory_space<semaphore_mem>>
      %dma_start3A_138 = tpu.memref_slice %arg5[%select_n3A, %mul3A_110] : memref<16x262144xf32, #tpu.memory_space<hbm>> -> memref<1x65536xf32, #tpu.memory_space<hbm>>
      %dma_start3A_139 = tpu.memref_squeeze %dma_start3A_138 : memref<1x65536xf32, #tpu.memory_space<hbm>> -> memref<65536xf32, #tpu.memory_space<hbm>>
      %dma_start3A_140 = tpu.memref_slice %arg5[%select_n3A, %mul3A_110] : memref<16x262144xf32, #tpu.memory_space<hbm>> -> memref<1x65536xf32, #tpu.memory_space<hbm>>
      %dma_start3A_141 = tpu.memref_squeeze %dma_start3A_140 : memref<1x65536xf32, #tpu.memory_space<hbm>> -> memref<65536xf32, #tpu.memory_space<hbm>>
      tpu.enqueue_dma source(%arg9 : memref<65536xf32, #tpu.memory_space<vmem>>) target(%dma_start3A_141 : memref<65536xf32, #tpu.memory_space<hbm>>) target_semaphore(%run_scoped3A : memref<!tpu.dma_semaphore, #tpu.memory_space<semaphore_mem>>)
      %dma_wait3A_142 = tpu.memref_slice %arg5[%select_n3A, %mul3A_110] : memref<16x262144xf32, #tpu.memory_space<hbm>> -> memref<1x65536xf32, #tpu.memory_space<hbm>>
      %dma_wait3A_143 = tpu.memref_squeeze %dma_wait3A_142 : memref<1x65536xf32, #tpu.memory_space<hbm>> -> memref<65536xf32, #tpu.memory_space<hbm>>
      %dma_wait3A_144 = tpu.memref_slice %arg5[%select_n3A, %mul3A_110] : memref<16x262144xf32, #tpu.memory_space<hbm>> -> memref<1x65536xf32, #tpu.memory_space<hbm>>
      %dma_wait3A_145 = tpu.memref_squeeze %dma_wait3A_144 : memref<1x65536xf32, #tpu.memory_space<hbm>> -> memref<65536xf32, #tpu.memory_space<hbm>>
      tpu.wait_dma2 semaphore(%run_scoped3A : memref<!tpu.dma_semaphore, #tpu.memory_space<semaphore_mem>>) src(%arg9 : memref<65536xf32, #tpu.memory_space<vmem>>) dst(%dma_wait3A_145 : memref<65536xf32, #tpu.memory_space<hbm>>)
      tpu.yield
    }) : () -> ()
    %mul3A_111 = arith.constant 2 : i32
    %mul3A_112 = arith.muli %select_n3A_30, %mul3A_111 : i32
    %add3A_113 = arith.constant 1 : i32
    %add3A_114 = arith.addi %mul3A_112, %add3A_113 : i32
    %mul3A_115 = arith.constant 128 : i32
    %mul3A_116 = arith.muli %add3A_114, %mul3A_115 : i32
    %scan3A_117 = arith.constant 0 : i32
    %scan3A_118 = arith.constant 0 : i32
    %scan3A_119 = arith.constant 256 : i32
    %scan3A_120 = arith.addi %scan3A_118, %scan3A_119 : i32
    %scan3A_121 = arith.constant 1 : i32
    %scan3A_122 = scf.for %scan3A_138 = %scan3A_118 to %scan3A_120 step %scan3A_121 iter_args(%scan3A_139 = %scan3A_117) -> (i32)  : i32 {
      %mul3A_140 = arith.constant 256 : i32
      %mul3A_141 = arith.muli %scan3A_138, %mul3A_140 : i32
      %broadcast_in_dim3A_142 = arith.constant 0.000000e+00 : f32
      %broadcast_in_dim3A_143 = vector.broadcast %broadcast_in_dim3A_142 : f32 to vector<16xf32>
      %add3A_144 = arith.constant 0 : i32
      %add3A_145 = arith.addi %mul3A_141, %add3A_144 : i32
      %swap3A = arith.index_cast %add3A_145 : i32 to index
      %swap3A_146 = tpu.vector_load %arg9[%swap3A] {strides = array<i32>} : memref<65536xf32, #tpu.memory_space<vmem>>, vector<16xf32>,
      tpu.vector_store %arg9[%swap3A], %broadcast_in_dim3A_143 {strides = array<i32>} : memref<65536xf32, #tpu.memory_space<vmem>>, vector<16xf32>,
      %broadcast_in_dim3A_147 = arith.constant 0.000000e+00 : f32
      %broadcast_in_dim3A_148 = vector.broadcast %broadcast_in_dim3A_147 : f32 to vector<16xf32>
      %add3A_149 = arith.constant 16 : i32
      %add3A_150 = arith.addi %mul3A_141, %add3A_149 : i32
      %swap3A_151 = arith.index_cast %add3A_150 : i32 to index
      %swap3A_152 = tpu.vector_load %arg9[%swap3A_151] {strides = array<i32>} : memref<65536xf32, #tpu.memory_space<vmem>>, vector<16xf32>,
      tpu.vector_store %arg9[%swap3A_151], %broadcast_in_dim3A_148 {strides = array<i32>} : memref<65536xf32, #tpu.memory_space<vmem>>, vector<16xf32>,
      %broadcast_in_dim3A_153 = arith.constant 0.000000e+00 : f32
      %broadcast_in_dim3A_154 = vector.broadcast %broadcast_in_dim3A_153 : f32 to vector<16xf32>
      %add3A_155 = arith.constant 32 : i32
      %add3A_156 = arith.addi %mul3A_141, %add3A_155 : i32
      %swap3A_157 = arith.index_cast %add3A_156 : i32 to index
      %swap3A_158 = tpu.vector_load %arg9[%swap3A_157] {strides = array<i32>} : memref<65536xf32, #tpu.memory_space<vmem>>, vector<16xf32>,
      tpu.vector_store %arg9[%swap3A_157], %broadcast_in_dim3A_154 {strides = array<i32>} : memref<65536xf32, #tpu.memory_space<vmem>>, vector<16xf32>,
      %broadcast_in_dim3A_159 = arith.constant 0.000000e+00 : f32
      %broadcast_in_dim3A_160 = vector.broadcast %broadcast_in_dim3A_159 : f32 to vector<16xf32>
      %add3A_161 = arith.constant 48 : i32
      %add3A_162 = arith.addi %mul3A_141, %add3A_161 : i32
      %swap3A_163 = arith.index_cast %add3A_162 : i32 to index
      %swap3A_164 = tpu.vector_load %arg9[%swap3A_163] {strides = array<i32>} : memref<65536xf32, #tpu.memory_space<vmem>>, vector<16xf32>,
      tpu.vector_store %arg9[%swap3A_163], %broadcast_in_dim3A_160 {strides = array<i32>} : memref<65536xf32, #tpu.memory_space<vmem>>, vector<16xf32>,
      %broadcast_in_dim3A_165 = arith.constant 0.000000e+00 : f32
      %broadcast_in_dim3A_166 = vector.broadcast %broadcast_in_dim3A_165 : f32 to vector<16xf32>
      %add3A_167 = arith.constant 64 : i32
      %add3A_168 = arith.addi %mul3A_141, %add3A_167 : i32
      %swap3A_169 = arith.index_cast %add3A_168 : i32 to index
      %swap3A_170 = tpu.vector_load %arg9[%swap3A_169] {strides = array<i32>} : memref<65536xf32, #tpu.memory_space<vmem>>, vector<16xf32>,
      tpu.vector_store %arg9[%swap3A_169], %broadcast_in_dim3A_166 {strides = array<i32>} : memref<65536xf32, #tpu.memory_space<vmem>>, vector<16xf32>,
      %broadcast_in_dim3A_171 = arith.constant 0.000000e+00 : f32
      %broadcast_in_dim3A_172 = vector.broadcast %broadcast_in_dim3A_171 : f32 to vector<16xf32>
      %add3A_173 = arith.constant 80 : i32
      %add3A_174 = arith.addi %mul3A_141, %add3A_173 : i32
      %swap3A_175 = arith.index_cast %add3A_174 : i32 to index
      %swap3A_176 = tpu.vector_load %arg9[%swap3A_175] {strides = array<i32>} : memref<65536xf32, #tpu.memory_space<vmem>>, vector<16xf32>,
      tpu.vector_store %arg9[%swap3A_175], %broadcast_in_dim3A_172 {strides = array<i32>} : memref<65536xf32, #tpu.memory_space<vmem>>, vector<16xf32>,
      %broadcast_in_dim3A_177 = arith.constant 0.000000e+00 : f32
      %broadcast_in_dim3A_178 = vector.broadcast %broadcast_in_dim3A_177 : f32 to vector<16xf32>
      %add3A_179 = arith.constant 96 : i32
      %add3A_180 = arith.addi %mul3A_141, %add3A_179 : i32
      %swap3A_181 = arith.index_cast %add3A_180 : i32 to index
      %swap3A_182 = tpu.vector_load %arg9[%swap3A_181] {strides = array<i32>} : memref<65536xf32, #tpu.memory_space<vmem>>, vector<16xf32>,
      tpu.vector_store %arg9[%swap3A_181], %broadcast_in_dim3A_178 {strides = array<i32>} : memref<65536xf32, #tpu.memory_space<vmem>>, vector<16xf32>,
      %broadcast_in_dim3A_183 = arith.constant 0.000000e+00 : f32
      %broadcast_in_dim3A_184 = vector.broadcast %broadcast_in_dim3A_183 : f32 to vector<16xf32>
      %add3A_185 = arith.constant 112 : i32
      %add3A_186 = arith.addi %mul3A_141, %add3A_185 : i32
      %swap3A_187 = arith.index_cast %add3A_186 : i32 to index
      %swap3A_188 = tpu.vector_load %arg9[%swap3A_187] {strides = array<i32>} : memref<65536xf32, #tpu.memory_space<vmem>>, vector<16xf32>,
      tpu.vector_store %arg9[%swap3A_187], %broadcast_in_dim3A_184 {strides = array<i32>} : memref<65536xf32, #tpu.memory_space<vmem>>, vector<16xf32>,
      %broadcast_in_dim3A_189 = arith.constant 0.000000e+00 : f32
      %broadcast_in_dim3A_190 = vector.broadcast %broadcast_in_dim3A_189 : f32 to vector<16xf32>
      %add3A_191 = arith.constant 128 : i32
      %add3A_192 = arith.addi %mul3A_141, %add3A_191 : i32
      %swap3A_193 = arith.index_cast %add3A_192 : i32 to index
      %swap3A_194 = tpu.vector_load %arg9[%swap3A_193] {strides = array<i32>} : memref<65536xf32, #tpu.memory_space<vmem>>, vector<16xf32>,
      tpu.vector_store %arg9[%swap3A_193], %broadcast_in_dim3A_190 {strides = array<i32>} : memref<65536xf32, #tpu.memory_space<vmem>>, vector<16xf32>,
      %broadcast_in_dim3A_195 = arith.constant 0.000000e+00 : f32
      %broadcast_in_dim3A_196 = vector.broadcast %broadcast_in_dim3A_195 : f32 to vector<16xf32>
      %add3A_197 = arith.constant 144 : i32
      %add3A_198 = arith.addi %mul3A_141, %add3A_197 : i32
      %swap3A_199 = arith.index_cast %add3A_198 : i32 to index
      %swap3A_200 = tpu.vector_load %arg9[%swap3A_199] {strides = array<i32>} : memref<65536xf32, #tpu.memory_space<vmem>>, vector<16xf32>,
      tpu.vector_store %arg9[%swap3A_199], %broadcast_in_dim3A_196 {strides = array<i32>} : memref<65536xf32, #tpu.memory_space<vmem>>, vector<16xf32>,
      %broadcast_in_dim3A_201 = arith.constant 0.000000e+00 : f32
      %broadcast_in_dim3A_202 = vector.broadcast %broadcast_in_dim3A_201 : f32 to vector<16xf32>
      %add3A_203 = arith.constant 160 : i32
      %add3A_204 = arith.addi %mul3A_141, %add3A_203 : i32
      %swap3A_205 = arith.index_cast %add3A_204 : i32 to index
      %swap3A_206 = tpu.vector_load %arg9[%swap3A_205] {strides = array<i32>} : memref<65536xf32, #tpu.memory_space<vmem>>, vector<16xf32>,
      tpu.vector_store %arg9[%swap3A_205], %broadcast_in_dim3A_202 {strides = array<i32>} : memref<65536xf32, #tpu.memory_space<vmem>>, vector<16xf32>,
      %broadcast_in_dim3A_207 = arith.constant 0.000000e+00 : f32
      %broadcast_in_dim3A_208 = vector.broadcast %broadcast_in_dim3A_207 : f32 to vector<16xf32>
      %add3A_209 = arith.constant 176 : i32
      %add3A_210 = arith.addi %mul3A_141, %add3A_209 : i32
      %swap3A_211 = arith.index_cast %add3A_210 : i32 to index
      %swap3A_212 = tpu.vector_load %arg9[%swap3A_211] {strides = array<i32>} : memref<65536xf32, #tpu.memory_space<vmem>>, vector<16xf32>,
      tpu.vector_store %arg9[%swap3A_211], %broadcast_in_dim3A_208 {strides = array<i32>} : memref<65536xf32, #tpu.memory_space<vmem>>, vector<16xf32>,
      %broadcast_in_dim3A_213 = arith.constant 0.000000e+00 : f32
      %broadcast_in_dim3A_214 = vector.broadcast %broadcast_in_dim3A_213 : f32 to vector<16xf32>
      %add3A_215 = arith.constant 192 : i32
      %add3A_216 = arith.addi %mul3A_141, %add3A_215 : i32
      %swap3A_217 = arith.index_cast %add3A_216 : i32 to index
      %swap3A_218 = tpu.vector_load %arg9[%swap3A_217] {strides = array<i32>} : memref<65536xf32, #tpu.memory_space<vmem>>, vector<16xf32>,
      tpu.vector_store %arg9[%swap3A_217], %broadcast_in_dim3A_214 {strides = array<i32>} : memref<65536xf32, #tpu.memory_space<vmem>>, vector<16xf32>,
      %broadcast_in_dim3A_219 = arith.constant 0.000000e+00 : f32
      %broadcast_in_dim3A_220 = vector.broadcast %broadcast_in_dim3A_219 : f32 to vector<16xf32>
      %add3A_221 = arith.constant 208 : i32
      %add3A_222 = arith.addi %mul3A_141, %add3A_221 : i32
      %swap3A_223 = arith.index_cast %add3A_222 : i32 to index
      %swap3A_224 = tpu.vector_load %arg9[%swap3A_223] {strides = array<i32>} : memref<65536xf32, #tpu.memory_space<vmem>>, vector<16xf32>,
      tpu.vector_store %arg9[%swap3A_223], %broadcast_in_dim3A_220 {strides = array<i32>} : memref<65536xf32, #tpu.memory_space<vmem>>, vector<16xf32>,
      %broadcast_in_dim3A_225 = arith.constant 0.000000e+00 : f32
      %broadcast_in_dim3A_226 = vector.broadcast %broadcast_in_dim3A_225 : f32 to vector<16xf32>
      %add3A_227 = arith.constant 224 : i32
      %add3A_228 = arith.addi %mul3A_141, %add3A_227 : i32
      %swap3A_229 = arith.index_cast %add3A_228 : i32 to index
      %swap3A_230 = tpu.vector_load %arg9[%swap3A_229] {strides = array<i32>} : memref<65536xf32, #tpu.memory_space<vmem>>, vector<16xf32>,
      tpu.vector_store %arg9[%swap3A_229], %broadcast_in_dim3A_226 {strides = array<i32>} : memref<65536xf32, #tpu.memory_space<vmem>>, vector<16xf32>,
      %broadcast_in_dim3A_231 = arith.constant 0.000000e+00 : f32
      %broadcast_in_dim3A_232 = vector.broadcast %broadcast_in_dim3A_231 : f32 to vector<16xf32>
      %add3A_233 = arith.constant 240 : i32
      %add3A_234 = arith.addi %mul3A_141, %add3A_233 : i32
      %swap3A_235 = arith.index_cast %add3A_234 : i32 to index
      %swap3A_236 = tpu.vector_load %arg9[%swap3A_235] {strides = array<i32>} : memref<65536xf32, #tpu.memory_space<vmem>>, vector<16xf32>,
      tpu.vector_store %arg9[%swap3A_235], %broadcast_in_dim3A_232 {strides = array<i32>} : memref<65536xf32, #tpu.memory_space<vmem>>, vector<16xf32>,
      %scan3A_237 = arith.constant 0 : i32
      scf.yield %scan3A_237 : i32
    }
    %scan3A_123 = arith.constant 256 : i32
    %while3A_124 = arith.constant 0 : i32
    %while3A_125 = arith.constant 0 : i32
    %while3A_126 = arith.subi %select_n3A_91, %while3A_124 : i32
    %while3A_127 = arith.addi %while3A_124, %while3A_126 : i32
    %while3A_128 = arith.constant 1 : i32
    %while3A_129 = arith.divsi %while3A_126, %while3A_128 : i32
    %while3A_130 = arith.muli %while3A_129, %while3A_128 : i32
    %while3A_131 = arith.addi %while3A_124, %while3A_130 : i32
    %while3A_132 = arith.constant 1 : i32
    %while3A_133 = scf.for %while3A_138 = %while3A_124 to %while3A_131 step %while3A_132 iter_args(%while3A_139 = %while3A_125) -> (i32)  : i32 {
      %mul3A_140 = arith.constant 2 : i32
      %mul3A_141 = arith.muli %while3A_138, %mul3A_140 : i32
      %add3A_142 = arith.constant 0 : i32
      %add3A_143 = arith.addi %mul3A_141, %add3A_142 : i32
      %mul3A_144 = arith.constant 16 : i32
      %mul3A_145 = arith.muli %add3A_143, %mul3A_144 : i32
      %add3A_146 = vector.broadcast %mul3A_145 : i32 to vector<16xi32>
      %add3A_147 = arith.addi %add3A_146, %iota3A : vector<16xi32>
      %shift_right_arithmetic3A = arith.constant 7 : i32
      %shift_right_arithmetic3A_148 = vector.broadcast %shift_right_arithmetic3A : i32 to vector<16xi32>
      %shift_right_arithmetic3A_149 = arith.shrsi %add3A_147, %shift_right_arithmetic3A_148 : vector<16xi32>
      %shift_left3A = arith.constant 8 : i32
      %shift_left3A_150 = vector.broadcast %shift_left3A : i32 to vector<16xi32>
      %shift_left3A_151 = arith.shli %shift_right_arithmetic3A_149, %shift_left3A_150 : vector<16xi32>
      %and3A_152 = arith.constant 127 : i32
      %and3A_153 = vector.broadcast %and3A_152 : i32 to vector<16xi32>
      %and3A_154 = arith.andi %add3A_147, %and3A_153 : vector<16xi32>
      %add3A_155 = arith.addi %shift_left3A_151, %and3A_154 : vector<16xi32>
      %gather3A_156 = tpu.vector_load_idx %arg6[%add3A_155] : memref<16384xi32, #tpu.memory_space<vmem>>[vector<16xi32>], vector<16xi32>,
      %add3A_157 = arith.constant 128 : i32
      %add3A_158 = vector.broadcast %add3A_157 : i32 to vector<16xi32>
      %add3A_159 = arith.addi %add3A_155, %add3A_158 : vector<16xi32>
      %gather3A_160 = tpu.vector_load_idx %arg6[%add3A_159] : memref<16384xi32, #tpu.memory_space<vmem>>[vector<16xi32>], vector<16xi32>,
      %get3A = arith.index_cast %mul3A_145 : i32 to index
      %get3A_161 = tpu.vector_load %arg7[%get3A] {strides = array<i32>} : memref<8192xf32, #tpu.memory_space<vmem>>, vector<16xf32>,
      %sub3A_162 = vector.broadcast %mul3A_116 : i32 to vector<16xi32>
      %sub3A_163 = arith.subi %gather3A_156, %sub3A_162 : vector<16xi32>
      %lt3A_164 = arith.cmpi slt, %add3A_147, %gather3A : vector<16xi32>
      %ge3A = arith.constant 0 : i32
      %ge3A_165 = vector.broadcast %ge3A : i32 to vector<16xi32>
      %ge3A_166 = arith.cmpi sge, %sub3A_163, %ge3A_165 : vector<16xi32>
      %and3A_167 = arith.andi %lt3A_164, %ge3A_166 : vector<16xi1>
      %lt3A_168 = arith.constant 128 : i32
      %lt3A_169 = vector.broadcast %lt3A_168 : i32 to vector<16xi32>
      %lt3A_170 = arith.cmpi slt, %sub3A_163, %lt3A_169 : vector<16xi32>
      %and3A_171 = arith.andi %and3A_167, %lt3A_170 : vector<16xi1>
      %jit3A_172 = arith.constant 0 : i32
      %broadcast_in_dim3A_173 = vector.broadcast %jit3A_172 : i32 to vector<16xi32>
      %select_n3A_174 = arith.select %and3A_171, %sub3A_163, %broadcast_in_dim3A_173 : vector<16xi1>, vector<16xi32>
      %shift_right_arithmetic3A_175 = arith.constant 3 : i32
      %shift_right_arithmetic3A_176 = vector.broadcast %shift_right_arithmetic3A_175 : i32 to vector<16xi32>
      %shift_right_arithmetic3A_177 = arith.shrsi %select_n3A_174, %shift_right_arithmetic3A_176 : vector<16xi32>
      %shift_left3A_178 = arith.constant 12 : i32
      %shift_left3A_179 = vector.broadcast %shift_left3A_178 : i32 to vector<16xi32>
      %shift_left3A_180 = arith.shli %shift_right_arithmetic3A_177, %shift_left3A_179 : vector<16xi32>
      %shift_right_arithmetic3A_181 = arith.constant 7 : i32
      %shift_right_arithmetic3A_182 = vector.broadcast %shift_right_arithmetic3A_181 : i32 to vector<16xi32>
      %shift_right_arithmetic3A_183 = arith.shrsi %gather3A_160, %shift_right_arithmetic3A_182 : vector<16xi32>
      %shift_left3A_184 = arith.constant 10 : i32
      %shift_left3A_185 = vector.broadcast %shift_left3A_184 : i32 to vector<16xi32>
      %shift_left3A_186 = arith.shli %shift_right_arithmetic3A_183, %shift_left3A_185 : vector<16xi32>
      %add3A_187 = arith.addi %shift_left3A_180, %shift_left3A_186 : vector<16xi32>
      %and3A_188 = arith.constant 7 : i32
      %and3A_189 = vector.broadcast %and3A_188 : i32 to vector<16xi32>
      %and3A_190 = arith.andi %select_n3A_174, %and3A_189 : vector<16xi32>
      %shift_left3A_191 = arith.constant 7 : i32
      %shift_left3A_192 = vector.broadcast %shift_left3A_191 : i32 to vector<16xi32>
      %shift_left3A_193 = arith.shli %and3A_190, %shift_left3A_192 : vector<16xi32>
      %add3A_194 = arith.addi %add3A_187, %shift_left3A_193 : vector<16xi32>
      %and3A_195 = arith.constant 127 : i32
      %and3A_196 = vector.broadcast %and3A_195 : i32 to vector<16xi32>
      %and3A_197 = arith.andi %gather3A_160, %and3A_196 : vector<16xi32>
      %add3A_198 = arith.addi %add3A_194, %and3A_197 : vector<16xi32>
      tpu.vector_store_idx %arg9[%add3A_198], %get3A_161 masked %and3A_171 : memref<65536xf32, #tpu.memory_space<vmem>>[vector<16xi32>], vector<16xf32>, vector<16xi1>
      %mul3A_199 = arith.constant 2 : i32
      %mul3A_200 = arith.muli %while3A_138, %mul3A_199 : i32
      %add3A_201 = arith.constant 1 : i32
      %add3A_202 = arith.addi %mul3A_200, %add3A_201 : i32
      %mul3A_203 = arith.constant 16 : i32
      %mul3A_204 = arith.muli %add3A_202, %mul3A_203 : i32
      %add3A_205 = vector.broadcast %mul3A_204 : i32 to vector<16xi32>
      %add3A_206 = arith.addi %add3A_205, %iota3A : vector<16xi32>
      %shift_right_arithmetic3A_207 = arith.constant 7 : i32
      %shift_right_arithmetic3A_208 = vector.broadcast %shift_right_arithmetic3A_207 : i32 to vector<16xi32>
      %shift_right_arithmetic3A_209 = arith.shrsi %add3A_206, %shift_right_arithmetic3A_208 : vector<16xi32>
      %shift_left3A_210 = arith.constant 8 : i32
      %shift_left3A_211 = vector.broadcast %shift_left3A_210 : i32 to vector<16xi32>
      %shift_left3A_212 = arith.shli %shift_right_arithmetic3A_209, %shift_left3A_211 : vector<16xi32>
      %and3A_213 = arith.constant 127 : i32
      %and3A_214 = vector.broadcast %and3A_213 : i32 to vector<16xi32>
      %and3A_215 = arith.andi %add3A_206, %and3A_214 : vector<16xi32>
      %add3A_216 = arith.addi %shift_left3A_212, %and3A_215 : vector<16xi32>
      %gather3A_217 = tpu.vector_load_idx %arg6[%add3A_216] : memref<16384xi32, #tpu.memory_space<vmem>>[vector<16xi32>], vector<16xi32>,
      %add3A_218 = arith.constant 128 : i32
      %add3A_219 = vector.broadcast %add3A_218 : i32 to vector<16xi32>
      %add3A_220 = arith.addi %add3A_216, %add3A_219 : vector<16xi32>
      %gather3A_221 = tpu.vector_load_idx %arg6[%add3A_220] : memref<16384xi32, #tpu.memory_space<vmem>>[vector<16xi32>], vector<16xi32>,
      %get3A_222 = arith.index_cast %mul3A_204 : i32 to index
      %get3A_223 = tpu.vector_load %arg7[%get3A_222] {strides = array<i32>} : memref<8192xf32, #tpu.memory_space<vmem>>, vector<16xf32>,
      %sub3A_224 = vector.broadcast %mul3A_116 : i32 to vector<16xi32>
      %sub3A_225 = arith.subi %gather3A_217, %sub3A_224 : vector<16xi32>
      %lt3A_226 = arith.cmpi slt, %add3A_206, %gather3A : vector<16xi32>
      %ge3A_227 = arith.constant 0 : i32
      %ge3A_228 = vector.broadcast %ge3A_227 : i32 to vector<16xi32>
      %ge3A_229 = arith.cmpi sge, %sub3A_225, %ge3A_228 : vector<16xi32>
      %and3A_230 = arith.andi %lt3A_226, %ge3A_229 : vector<16xi1>
      %lt3A_231 = arith.constant 128 : i32
      %lt3A_232 = vector.broadcast %lt3A_231 : i32 to vector<16xi32>
      %lt3A_233 = arith.cmpi slt, %sub3A_225, %lt3A_232 : vector<16xi32>
      %and3A_234 = arith.andi %and3A_230, %lt3A_233 : vector<16xi1>
      %jit3A_235 = arith.constant 0 : i32
      %broadcast_in_dim3A_236 = vector.broadcast %jit3A_235 : i32 to vector<16xi32>
      %select_n3A_237 = arith.select %and3A_234, %sub3A_225, %broadcast_in_dim3A_236 : vector<16xi1>, vector<16xi32>
      %shift_right_arithmetic3A_238 = arith.constant 3 : i32
      %shift_right_arithmetic3A_239 = vector.broadcast %shift_right_arithmetic3A_238 : i32 to vector<16xi32>
      %shift_right_arithmetic3A_240 = arith.shrsi %select_n3A_237, %shift_right_arithmetic3A_239 : vector<16xi32>
      %shift_left3A_241 = arith.constant 12 : i32
      %shift_left3A_242 = vector.broadcast %shift_left3A_241 : i32 to vector<16xi32>
      %shift_left3A_243 = arith.shli %shift_right_arithmetic3A_240, %shift_left3A_242 : vector<16xi32>
      %shift_right_arithmetic3A_244 = arith.constant 7 : i32
      %shift_right_arithmetic3A_245 = vector.broadcast %shift_right_arithmetic3A_244 : i32 to vector<16xi32>
      %shift_right_arithmetic3A_246 = arith.shrsi %gather3A_221, %shift_right_arithmetic3A_245 : vector<16xi32>
      %shift_left3A_247 = arith.constant 10 : i32
      %shift_left3A_248 = vector.broadcast %shift_left3A_247 : i32 to vector<16xi32>
      %shift_left3A_249 = arith.shli %shift_right_arithmetic3A_246, %shift_left3A_248 : vector<16xi32>
      %add3A_250 = arith.addi %shift_left3A_243, %shift_left3A_249 : vector<16xi32>
      %and3A_251 = arith.constant 7 : i32
      %and3A_252 = vector.broadcast %and3A_251 : i32 to vector<16xi32>
      %and3A_253 = arith.andi %select_n3A_237, %and3A_252 : vector<16xi32>
      %shift_left3A_254 = arith.constant 7 : i32
      %shift_left3A_255 = vector.broadcast %shift_left3A_254 : i32 to vector<16xi32>
      %shift_left3A_256 = arith.shli %and3A_253, %shift_left3A_255 : vector<16xi32>
      %add3A_257 = arith.addi %add3A_250, %shift_left3A_256 : vector<16xi32>
      %and3A_258 = arith.constant 127 : i32
      %and3A_259 = vector.broadcast %and3A_258 : i32 to vector<16xi32>
      %and3A_260 = arith.andi %gather3A_221, %and3A_259 : vector<16xi32>
      %add3A_261 = arith.addi %add3A_257, %and3A_260 : vector<16xi32>
      tpu.vector_store_idx %arg9[%add3A_261], %get3A_223 masked %and3A_234 : memref<65536xf32, #tpu.memory_space<vmem>>[vector<16xi32>], vector<16xf32>, vector<16xi1>
      %while3A_262 = arith.constant 0 : i32
      scf.yield %while3A_262 : i32
    }
    %while3A_134 = arith.constant 1 : i32
    %while3A_135 = scf.for %while3A_138 = %while3A_131 to %while3A_127 step %while3A_134 iter_args(%while3A_139 = %while3A_133) -> (i32)  : i32 {
      %mul3A_140 = arith.constant 2 : i32
      %mul3A_141 = arith.muli %while3A_138, %mul3A_140 : i32
      %add3A_142 = arith.constant 0 : i32
      %add3A_143 = arith.addi %mul3A_141, %add3A_142 : i32
      %mul3A_144 = arith.constant 16 : i32
      %mul3A_145 = arith.muli %add3A_143, %mul3A_144 : i32
      %add3A_146 = vector.broadcast %mul3A_145 : i32 to vector<16xi32>
      %add3A_147 = arith.addi %add3A_146, %iota3A : vector<16xi32>
      %shift_right_arithmetic3A = arith.constant 7 : i32
      %shift_right_arithmetic3A_148 = vector.broadcast %shift_right_arithmetic3A : i32 to vector<16xi32>
      %shift_right_arithmetic3A_149 = arith.shrsi %add3A_147, %shift_right_arithmetic3A_148 : vector<16xi32>
      %shift_left3A = arith.constant 8 : i32
      %shift_left3A_150 = vector.broadcast %shift_left3A : i32 to vector<16xi32>
      %shift_left3A_151 = arith.shli %shift_right_arithmetic3A_149, %shift_left3A_150 : vector<16xi32>
      %and3A_152 = arith.constant 127 : i32
      %and3A_153 = vector.broadcast %and3A_152 : i32 to vector<16xi32>
      %and3A_154 = arith.andi %add3A_147, %and3A_153 : vector<16xi32>
      %add3A_155 = arith.addi %shift_left3A_151, %and3A_154 : vector<16xi32>
      %gather3A_156 = tpu.vector_load_idx %arg6[%add3A_155] : memref<16384xi32, #tpu.memory_space<vmem>>[vector<16xi32>], vector<16xi32>,
      %add3A_157 = arith.constant 128 : i32
      %add3A_158 = vector.broadcast %add3A_157 : i32 to vector<16xi32>
      %add3A_159 = arith.addi %add3A_155, %add3A_158 : vector<16xi32>
      %gather3A_160 = tpu.vector_load_idx %arg6[%add3A_159] : memref<16384xi32, #tpu.memory_space<vmem>>[vector<16xi32>], vector<16xi32>,
      %get3A = arith.index_cast %mul3A_145 : i32 to index
      %get3A_161 = tpu.vector_load %arg7[%get3A] {strides = array<i32>} : memref<8192xf32, #tpu.memory_space<vmem>>, vector<16xf32>,
      %sub3A_162 = vector.broadcast %mul3A_116 : i32 to vector<16xi32>
      %sub3A_163 = arith.subi %gather3A_156, %sub3A_162 : vector<16xi32>
      %lt3A_164 = arith.cmpi slt, %add3A_147, %gather3A : vector<16xi32>
      %ge3A = arith.constant 0 : i32
      %ge3A_165 = vector.broadcast %ge3A : i32 to vector<16xi32>
      %ge3A_166 = arith.cmpi sge, %sub3A_163, %ge3A_165 : vector<16xi32>
      %and3A_167 = arith.andi %lt3A_164, %ge3A_166 : vector<16xi1>
      %lt3A_168 = arith.constant 128 : i32
      %lt3A_169 = vector.broadcast %lt3A_168 : i32 to vector<16xi32>
      %lt3A_170 = arith.cmpi slt, %sub3A_163, %lt3A_169 : vector<16xi32>
      %and3A_171 = arith.andi %and3A_167, %lt3A_170 : vector<16xi1>
      %jit3A_172 = arith.constant 0 : i32
      %broadcast_in_dim3A_173 = vector.broadcast %jit3A_172 : i32 to vector<16xi32>
      %select_n3A_174 = arith.select %and3A_171, %sub3A_163, %broadcast_in_dim3A_173 : vector<16xi1>, vector<16xi32>
      %shift_right_arithmetic3A_175 = arith.constant 3 : i32
      %shift_right_arithmetic3A_176 = vector.broadcast %shift_right_arithmetic3A_175 : i32 to vector<16xi32>
      %shift_right_arithmetic3A_177 = arith.shrsi %select_n3A_174, %shift_right_arithmetic3A_176 : vector<16xi32>
      %shift_left3A_178 = arith.constant 12 : i32
      %shift_left3A_179 = vector.broadcast %shift_left3A_178 : i32 to vector<16xi32>
      %shift_left3A_180 = arith.shli %shift_right_arithmetic3A_177, %shift_left3A_179 : vector<16xi32>
      %shift_right_arithmetic3A_181 = arith.constant 7 : i32
      %shift_right_arithmetic3A_182 = vector.broadcast %shift_right_arithmetic3A_181 : i32 to vector<16xi32>
      %shift_right_arithmetic3A_183 = arith.shrsi %gather3A_160, %shift_right_arithmetic3A_182 : vector<16xi32>
      %shift_left3A_184 = arith.constant 10 : i32
      %shift_left3A_185 = vector.broadcast %shift_left3A_184 : i32 to vector<16xi32>
      %shift_left3A_186 = arith.shli %shift_right_arithmetic3A_183, %shift_left3A_185 : vector<16xi32>
      %add3A_187 = arith.addi %shift_left3A_180, %shift_left3A_186 : vector<16xi32>
      %and3A_188 = arith.constant 7 : i32
      %and3A_189 = vector.broadcast %and3A_188 : i32 to vector<16xi32>
      %and3A_190 = arith.andi %select_n3A_174, %and3A_189 : vector<16xi32>
      %shift_left3A_191 = arith.constant 7 : i32
      %shift_left3A_192 = vector.broadcast %shift_left3A_191 : i32 to vector<16xi32>
      %shift_left3A_193 = arith.shli %and3A_190, %shift_left3A_192 : vector<16xi32>
      %add3A_194 = arith.addi %add3A_187, %shift_left3A_193 : vector<16xi32>
      %and3A_195 = arith.constant 127 : i32
      %and3A_196 = vector.broadcast %and3A_195 : i32 to vector<16xi32>
      %and3A_197 = arith.andi %gather3A_160, %and3A_196 : vector<16xi32>
      %add3A_198 = arith.addi %add3A_194, %and3A_197 : vector<16xi32>
      tpu.vector_store_idx %arg9[%add3A_198], %get3A_161 masked %and3A_171 : memref<65536xf32, #tpu.memory_space<vmem>>[vector<16xi32>], vector<16xf32>, vector<16xi1>
      %mul3A_199 = arith.constant 2 : i32
      %mul3A_200 = arith.muli %while3A_138, %mul3A_199 : i32
      %add3A_201 = arith.constant 1 : i32
      %add3A_202 = arith.addi %mul3A_200, %add3A_201 : i32
      %mul3A_203 = arith.constant 16 : i32
      %mul3A_204 = arith.muli %add3A_202, %mul3A_203 : i32
      %add3A_205 = vector.broadcast %mul3A_204 : i32 to vector<16xi32>
      %add3A_206 = arith.addi %add3A_205, %iota3A : vector<16xi32>
      %shift_right_arithmetic3A_207 = arith.constant 7 : i32
      %shift_right_arithmetic3A_208 = vector.broadcast %shift_right_arithmetic3A_207 : i32 to vector<16xi32>
      %shift_right_arithmetic3A_209 = arith.shrsi %add3A_206, %shift_right_arithmetic3A_208 : vector<16xi32>
      %shift_left3A_210 = arith.constant 8 : i32
      %shift_left3A_211 = vector.broadcast %shift_left3A_210 : i32 to vector<16xi32>
      %shift_left3A_212 = arith.shli %shift_right_arithmetic3A_209, %shift_left3A_211 : vector<16xi32>
      %and3A_213 = arith.constant 127 : i32
      %and3A_214 = vector.broadcast %and3A_213 : i32 to vector<16xi32>
      %and3A_215 = arith.andi %add3A_206, %and3A_214 : vector<16xi32>
      %add3A_216 = arith.addi %shift_left3A_212, %and3A_215 : vector<16xi32>
      %gather3A_217 = tpu.vector_load_idx %arg6[%add3A_216] : memref<16384xi32, #tpu.memory_space<vmem>>[vector<16xi32>], vector<16xi32>,
      %add3A_218 = arith.constant 128 : i32
      %add3A_219 = vector.broadcast %add3A_218 : i32 to vector<16xi32>
      %add3A_220 = arith.addi %add3A_216, %add3A_219 : vector<16xi32>
      %gather3A_221 = tpu.vector_load_idx %arg6[%add3A_220] : memref<16384xi32, #tpu.memory_space<vmem>>[vector<16xi32>], vector<16xi32>,
      %get3A_222 = arith.index_cast %mul3A_204 : i32 to index
      %get3A_223 = tpu.vector_load %arg7[%get3A_222] {strides = array<i32>} : memref<8192xf32, #tpu.memory_space<vmem>>, vector<16xf32>,
      %sub3A_224 = vector.broadcast %mul3A_116 : i32 to vector<16xi32>
      %sub3A_225 = arith.subi %gather3A_217, %sub3A_224 : vector<16xi32>
      %lt3A_226 = arith.cmpi slt, %add3A_206, %gather3A : vector<16xi32>
      %ge3A_227 = arith.constant 0 : i32
      %ge3A_228 = vector.broadcast %ge3A_227 : i32 to vector<16xi32>
      %ge3A_229 = arith.cmpi sge, %sub3A_225, %ge3A_228 : vector<16xi32>
      %and3A_230 = arith.andi %lt3A_226, %ge3A_229 : vector<16xi1>
      %lt3A_231 = arith.constant 128 : i32
      %lt3A_232 = vector.broadcast %lt3A_231 : i32 to vector<16xi32>
      %lt3A_233 = arith.cmpi slt, %sub3A_225, %lt3A_232 : vector<16xi32>
      %and3A_234 = arith.andi %and3A_230, %lt3A_233 : vector<16xi1>
      %jit3A_235 = arith.constant 0 : i32
      %broadcast_in_dim3A_236 = vector.broadcast %jit3A_235 : i32 to vector<16xi32>
      %select_n3A_237 = arith.select %and3A_234, %sub3A_225, %broadcast_in_dim3A_236 : vector<16xi1>, vector<16xi32>
      %shift_right_arithmetic3A_238 = arith.constant 3 : i32
      %shift_right_arithmetic3A_239 = vector.broadcast %shift_right_arithmetic3A_238 : i32 to vector<16xi32>
      %shift_right_arithmetic3A_240 = arith.shrsi %select_n3A_237, %shift_right_arithmetic3A_239 : vector<16xi32>
      %shift_left3A_241 = arith.constant 12 : i32
      %shift_left3A_242 = vector.broadcast %shift_left3A_241 : i32 to vector<16xi32>
      %shift_left3A_243 = arith.shli %shift_right_arithmetic3A_240, %shift_left3A_242 : vector<16xi32>
      %shift_right_arithmetic3A_244 = arith.constant 7 : i32
      %shift_right_arithmetic3A_245 = vector.broadcast %shift_right_arithmetic3A_244 : i32 to vector<16xi32>
      %shift_right_arithmetic3A_246 = arith.shrsi %gather3A_221, %shift_right_arithmetic3A_245 : vector<16xi32>
      %shift_left3A_247 = arith.constant 10 : i32
      %shift_left3A_248 = vector.broadcast %shift_left3A_247 : i32 to vector<16xi32>
      %shift_left3A_249 = arith.shli %shift_right_arithmetic3A_246, %shift_left3A_248 : vector<16xi32>
      %add3A_250 = arith.addi %shift_left3A_243, %shift_left3A_249 : vector<16xi32>
      %and3A_251 = arith.constant 7 : i32
      %and3A_252 = vector.broadcast %and3A_251 : i32 to vector<16xi32>
      %and3A_253 = arith.andi %select_n3A_237, %and3A_252 : vector<16xi32>
      %shift_left3A_254 = arith.constant 7 : i32
      %shift_left3A_255 = vector.broadcast %shift_left3A_254 : i32 to vector<16xi32>
      %shift_left3A_256 = arith.shli %and3A_253, %shift_left3A_255 : vector<16xi32>
      %add3A_257 = arith.addi %add3A_250, %shift_left3A_256 : vector<16xi32>
      %and3A_258 = arith.constant 127 : i32
      %and3A_259 = vector.broadcast %and3A_258 : i32 to vector<16xi32>
      %and3A_260 = arith.andi %gather3A_221, %and3A_259 : vector<16xi32>
      %add3A_261 = arith.addi %add3A_257, %and3A_260 : vector<16xi32>
      tpu.vector_store_idx %arg9[%add3A_261], %get3A_223 masked %and3A_234 : memref<65536xf32, #tpu.memory_space<vmem>>[vector<16xi32>], vector<16xf32>, vector<16xi1>
      %while3A_262 = arith.constant 0 : i32
      scf.yield %while3A_262 : i32
    }
    %mul3A_136 = arith.constant 512 : i32
    %mul3A_137 = arith.muli %mul3A_116, %mul3A_136 : i32
    "tpu.region"() ({
      %run_scoped3A = tpu.sem_alloc : memref<!tpu.dma_semaphore, #tpu.memory_space<semaphore_mem>>
      %dma_start3A_138 = tpu.memref_slice %arg5[%select_n3A, %mul3A_137] : memref<16x262144xf32, #tpu.memory_space<hbm>> -> memref<1x65536xf32, #tpu.memory_space<hbm>>
      %dma_start3A_139 = tpu.memref_squeeze %dma_start3A_138 : memref<1x65536xf32, #tpu.memory_space<hbm>> -> memref<65536xf32, #tpu.memory_space<hbm>>
      %dma_start3A_140 = tpu.memref_slice %arg5[%select_n3A, %mul3A_137] : memref<16x262144xf32, #tpu.memory_space<hbm>> -> memref<1x65536xf32, #tpu.memory_space<hbm>>
      %dma_start3A_141 = tpu.memref_squeeze %dma_start3A_140 : memref<1x65536xf32, #tpu.memory_space<hbm>> -> memref<65536xf32, #tpu.memory_space<hbm>>
      tpu.enqueue_dma source(%arg9 : memref<65536xf32, #tpu.memory_space<vmem>>) target(%dma_start3A_141 : memref<65536xf32, #tpu.memory_space<hbm>>) target_semaphore(%run_scoped3A : memref<!tpu.dma_semaphore, #tpu.memory_space<semaphore_mem>>)
      %dma_wait3A_142 = tpu.memref_slice %arg5[%select_n3A, %mul3A_137] : memref<16x262144xf32, #tpu.memory_space<hbm>> -> memref<1x65536xf32, #tpu.memory_space<hbm>>
      %dma_wait3A_143 = tpu.memref_squeeze %dma_wait3A_142 : memref<1x65536xf32, #tpu.memory_space<hbm>> -> memref<65536xf32, #tpu.memory_space<hbm>>
      %dma_wait3A_144 = tpu.memref_slice %arg5[%select_n3A, %mul3A_137] : memref<16x262144xf32, #tpu.memory_space<hbm>> -> memref<1x65536xf32, #tpu.memory_space<hbm>>
      %dma_wait3A_145 = tpu.memref_squeeze %dma_wait3A_144 : memref<1x65536xf32, #tpu.memory_space<hbm>> -> memref<65536xf32, #tpu.memory_space<hbm>>
      tpu.wait_dma2 semaphore(%run_scoped3A : memref<!tpu.dma_semaphore, #tpu.memory_space<semaphore_mem>>) src(%arg9 : memref<65536xf32, #tpu.memory_space<vmem>>) dst(%dma_wait3A_145 : memref<65536xf32, #tpu.memory_space<hbm>>)
      tpu.yield
    }) : () -> ()
    return
  }
}

</mosaic_0001>

<sc_bundles>
// kernel: _launch.3.cloned.1.call-start
scs
__scs_entry_jumppad:
0x0: {  	(pc) =	sbr.rel $0x88, $3  }
0x1: {  	(tag) =	ssettag $0x0;
	lr =	simm.s32 $0x1  }
0x2: {  	[smem:$0x3F9E] =	sst lr;
	_ =	strace $0xD0000000  }
0x3: {  	_ = 	snop  }
0x4: {  	_ = 	snop  }
0x5: {  	_ = 	snop  }
0x6: {  	_ = 	snop  }
0x7: {  	_ = 	snop  }
__scs_overlays_trampoline_lowered:
0x8: {  	[smem:$0x3FAD] =	sst s0  }
0x9: {  	[smem:$0x3FAE] =	sst s1  }
0xa: {  	[smem:$0x3FAF] =	sst s2  }
0xb: {  	[smem:$0x3FB0] =	sst s3  }
0xc: {  	[smem:$0x3FB1] =	sst s4  }
0xd: {  	[smem:$0x3FB2] =	sst s5  }
0xe: {  	[smem:$0x3FB3] =	sst s6  }
0xf: {  	[smem:$0x3FB4] =	sst s7  }
0x10: {  	[smem:$0x3FB5] =	sst s8  }
0x11: {  	[smem:$0x3FB6] =	sst s9;
	s0 =	simm.s32 @!p0 $0x0  }
0x12: {  	s1 =	sld [smem:$0x3F9C];
	s0 =	simm.s32 @p0 $0x1  }
0x13: {  	[smem:$0x3FB7] =	sst s0;
	s0 =	simm.s32 @!p1 $0x0  }
0x14: {  	s2 =	sld [smem:$0x3F9B];
	s0 =	simm.s32 @p1 $0x1  }
0x15: {  	[smem:$0x3FB8] =	sst s0;
	s0 =	simm.s32 @!p2 $0x0  }
0x16: {  	s3 =	sld [smem:$0x3FDB];
	s0 =	simm.s32 @p2 $0x1  }
0x17: {  	s4 =	simm.s32 $0x1BF5;
	[smem:$0x3FBA] =	sst s0  }
0x18: {  	s0 =	sld [smem:$0x3F9D];
	_ =	swait.ge [sflag:s4], $0x0  }
0x19: {  	s7 =	sld [smem:$0x3F9E]  }
0x1a: {  	s8 =	sadd.s32 $0xFFFFE003, lr  }
0x1b: {  	s9 =	sadd.s32 $0xFFFFFEF7, lr;
	s5 =	simm.s32 $0xFFFFFFFF;
	p2 =	slt.u32 s8, $0xFFFFF086  }
0x1c: {  	p1 =	slt.u32 s9, $0xF7A;
	s5 =	simm.s32 @!p2 $0x0  }
0x1d: {  	s5 =	simm.s32 @p1 $0x1;
	p0 =	seq.s32 s7, s2  }
0x1e: {  	s7 =	smul.u32 @!p0 $0xF7A, s2;
	p2 =	seq.s32 @!p0 s5, $0x0  }
0x1f: {  	s9 =	smul.u32 $0xF7A, s1;
	s8 =	simm.s32 @!p0 $0x1BF5;
	p2 =	por !p2, p0  }
0x20: {  	[sflag:s8] =	ssyncset.s32 @!p0 $0xFFFFF086;
	s6 =	sadd.s32 @!p0 s3, s7;
	s7 =	simm.s32 @!p0 $0x108  }
0x21: {  	s3 =	sadd.s32 s3, s9;
	s6 =	sadd.s32 @!p0 $0x88, s6;
	s7 =	simm.s32 @p2 $0x1082  }
0x22: {  	[simem:s7], [sflag:s8] =	dma.local @!p0 [hbm:s6], $0xF7A  }
0x23: {  	s9 =	sor.u32 $0xD0000000, s2;
	s6 =	simm.s32 $0x108;
	_ =	swait.ge @!p0 [sflag:s8], $0x0  }
0x24: {  	s3 =	sadd.s32 $0x88, s3;
	s6 =	simm.s32 @!p1 $0x1082;
	[sflag:s4] =	ssyncset.s32 $0xFFFFF086  }
0x25: {  	[simem:s6], [sflag:s4] =	dma.local [hbm:s3], $0xF7A  }
0x26: {  	[smem:$0x3F9E] =	sst s1;
	(tag) =	ssettag s2;
	_ =	strace s9  }
0x27: {  	s1 =	sld [smem:$0x3FAE]  }
0x28: {  	s2 =	sld [smem:$0x3FAF]  }
0x29: {  	s4 =	sld [smem:$0x3FB1]  }
0x2a: {  	p0 =	seq.s32 s5, $0x0;
	s5 =	sld [smem:$0x3FB2]  }
0x2b: {  	s6 =	sld [smem:$0x3FB3]  }
0x2c: {  	s7 =	sld [smem:$0x3FB4]  }
0x2d: {  	s3 =	simm.s32 $0x108;
	s8 =	sld [smem:$0x3FB5]  }
0x2e: {  	s3 =	simm.s32 @!p0 $0x1082;
	s9 =	sld [smem:$0x3FB6]  }
0x2f: {  	lr =	sadd.s32 s0, s3;
	s0 =	sld [smem:$0x3FAD]  }
0x30: {  	s3 =	sld [smem:$0x3FB0]  }
0x31: {  	[smem:$0x3FB9] =	sst s10  }
0x32: {  	s10 =	sld [smem:$0x3FB7];
	_ =	sdelay $0x3  }
0x33: {  	p0 =	seq.s32 s10, $0x1;
	s10 =	sld [smem:$0x3FB9];
	_ =	sdelay $0x3  }
0x34: {  	[smem:$0x3FB9] =	sst s10  }
0x35: {  	s10 =	sld [smem:$0x3FB8];
	_ =	sdelay $0x3  }
0x36: {  	p1 =	seq.s32 s10, $0x1;
	s10 =	sld [smem:$0x3FB9];
	_ =	sdelay $0x3  }
0x37: {  	[smem:$0x3FB9] =	sst s10  }
0x38: {  	s10 =	sld [smem:$0x3FBA]  }
0x39: {  	_ = 	snop;
	(pc) =	sbr.ind lr, $3  }
0x3a: {  	_ = 	snop  }
0x3b: {  	_ = 	snop  }
0x3c: {  	p2 =	seq.s32 s10, $0x1;
	s10 =	sld [smem:$0x3FB9]  }
0x3d: {  	_ =	shalt  }
0x3e: {  	_ =	shalt  }
0x3f: {  	_ =	shalt  }
0x40: {  	_ =	shalt  }
0x41: {  	_ =	shalt  }
0x42: {  	_ =	shalt  }
0x43: {  	_ =	shalt  }
0x44: {  	_ =	shalt  }
0x45: {  	_ =	shalt  }
0x46: {  	_ =	shalt  }
0x47: {  	_ =	shalt  }
0x48: {  	_ =	shalt  }
0x49: {  	_ =	shalt  }
0x4a: {  	_ =	shalt  }
0x4b: {  	_ =	shalt  }
0x4c: {  	_ =	shalt  }
0x4d: {  	_ =	shalt  }
0x4e: {  	_ =	shalt  }
0x4f: {  	_ =	shalt  }
0x50: {  	_ =	shalt  }
0x51: {  	_ =	shalt  }
0x52: {  	_ =	shalt  }
0x53: {  	_ =	shalt  }
0x54: {  	_ =	shalt  }
0x55: {  	_ =	shalt  }
0x56: {  	_ =	shalt  }
0x57: {  	_ =	shalt  }
0x58: {  	_ =	shalt  }
0x59: {  	_ =	shalt  }
0x5a: {  	_ =	shalt  }
0x5b: {  	_ =	shalt  }
0x5c: {  	_ =	shalt  }
0x5d: {  	_ =	shalt  }
0x5e: {  	_ =	shalt  }
0x5f: {  	_ =	shalt  }
0x60: {  	_ =	shalt  }
0x61: {  	_ =	shalt  }
0x62: {  	_ =	shalt  }
0x63: {  	_ =	shalt  }
0x64: {  	_ =	shalt  }
0x65: {  	_ =	shalt  }
0x66: {  	_ =	shalt  }
0x67: {  	_ =	shalt  }
0x68: {  	_ =	shalt  }
0x69: {  	_ =	shalt  }
0x6a: {  	_ =	shalt  }
0x6b: {  	_ =	shalt  }
0x6c: {  	_ =	shalt  }
0x6d: {  	_ =	shalt  }
0x6e: {  	_ =	shalt  }
0x6f: {  	_ =	shalt  }
0x70: {  	_ =	shalt  }
0x71: {  	_ =	shalt  }
0x72: {  	_ =	shalt  }
0x73: {  	_ =	shalt  }
0x74: {  	_ =	shalt  }
0x75: {  	_ =	shalt  }
0x76: {  	_ =	shalt  }
0x77: {  	_ =	shalt  }
0x78: {  	_ =	shalt  }
0x79: {  	_ =	shalt  }
0x7a: {  	_ =	shalt  }
0x7b: {  	_ =	shalt  }
0x7c: {  	_ =	shalt  }
0x7d: {  	_ =	shalt  }
0x7e: {  	_ =	shalt  }
0x7f: {  	_ =	shalt  }
0x80: {  	_ =	shalt  }
0x81: {  	_ =	shalt  }
0x82: {  	_ =	shalt  }
0x83: {  	_ =	shalt  }
0x84: {  	_ =	shalt  }
0x85: {  	_ =	shalt  }
0x86: {  	_ =	shalt  }
0x87: {  	_ =	shalt  }
.Lfunc_end0:
.L_simem_size_0:
called_computation_lowered:
.L_overlay_start_0:
0x88: {  	s2 =	sld [smem:$0x3FD9]  }
0x89: {  	s3 =	sld [smem:$0x3FFE];
	_ =	sdelay $0x1  }
0x8a: {  	s1 =	srdreg.scid  }
0x8b: {  	s0 =	sand.u32 $0x1, s1  }
0x8c: {  	s17 =	sshll.u32 s0, $0xA;
	s2 =	sadd.s32 s3, s2  }
0x8d: {  	s2 =	sadd.s32 s2, s17  }
0x8e: {  	[smem:$0x3FC5] =	sst s2  }
0x8f: {  	_ = 	snop  }
0x90: {  	s2 =	sld [smem:$0x3FC8]  }
0x91: {  	s18 =	sld [smem:$0x3FD0];
	(tm) =	ssettm $0x1  }
0x92: {  	s4 =	sld [smem:$0x3FFB];
	_ =	sdelay $0x3  }
0x93: {  	_ =	strace s4  }
0x94: {  	s4 =	sld [smem:$0x3FFC];
	_ =	sdelay $0x3  }
0x95: {  	_ =	strace s4  }
0x96: {  	s4 =	sld [smem:$0x3FFD];
	_ =	sdelay $0x3  }
0x97: {  	_ =	strace s4  }
0x98: {  	_ =	strace $0x8FFFFFFF  }
0x99: {  	s19 =	sld [smem:$0x3FDB];
	_ =	sdelay $0x1  }
0x9a: {  	s5 =	simm.s32 $_scs_section_size  }
0x9b: {  	s6 =	simm.s32 $_size__tile_overlayer_lowered;
	s7 =	simm.s32 $_tile_overlayer_lowered  }
0x9c: {  	s22 =	simm.s32 $0x1BFF;
	s21 =	sshll.u32 s7, $0x1;
	s4 =	sadd.s32 s5, s19  }
0x9d: {  	s8 =	simm.s32 $0x0;
	s20 =	sshll.u32 s6, $0x1;
	s6 =	sadd.s32 s21, s4  }
0x9e: {  	[timem:s8], [sflag:s22] =	dma.local [hbm:s6], s20  }
0x9f: {  	_ =	swait.ge [sflag:s22], s20  }
0xa0: {  	s5 =	ssub.s32 $0x0, s20;
	[sflag:s22] =	ssyncset.done $0x0  }
0xa1: {  	[sflag:s22] =	ssyncadd.s32 s5;
	_ =	sdelay $0x1  }
0xa2: {  	s23 =	simm.s32 $0x1B8B  }
0xa3: {  	_ =	swait.ge [sflag:s23], $0x1  }
0xa4: {  	[sflag:s23] =	ssyncset.done $0x0  }
0xa5: {  	s25 =	simm.s32 $0x1B8E;
	s24 =	sld [smem:$0x3FFE];
	[sflag:s23] =	ssyncadd.s32 $0xFFFFFFFF  }
0xa6: {  	s26 =	simm.s32 $execute0_lowered;
	[smem:$0x3FD2] =	sst s25  }
0xa7: {  	s6 =	sshll.u32 s26, $0x1;
	_ =	strace $0x80000046;
	[dreg:$0x1] =	wrdreg $0xFFFFFFFF  }
0xa8: {  	s28 =	simm.s32 $_size_execute0_lowered;
	s4 =	sadd.s32 s4, s6;
	[dreg:$0x0] =	wrdreg $0x0  }
0xa9: {  	s6 =	sshll.u32 s28, $0x1;
	[dreg:$0x2] =	wrdreg s4  }
0xaa: {  	[dreg:$0x3] =	wrdreg s6  }
0xab: {  	[dreg:$0x4] =	wrdreg $0xC0  }
0xac: {  	_ =	task [dreg:s8], $0x5FFFF  }
0xad: {  	[dreg:$0x1] =	wrdreg $0xFFFFFFFF  }
0xae: {  	[dreg:$0x0] =	wrdreg $0x60  }
0xaf: {  	[dreg:$0x2] =	wrdreg s18  }
0xb0: {  	[dreg:$0x3] =	wrdreg s2  }
0xb1: {  	[dreg:$0x4] =	wrdreg s24  }
0xb2: {  	[dreg:$0x5] =	wrdreg $0x9  }
0xb3: {  	_ =	task.clear_ibuf [dreg:s8], $0x6FFFF;
	_ =	strace $0x90000046  }
0xb4: {  	s29 =	simm.s32 $0x9;
	_ =	strace $0x80000048  }
0xb5: {  	_ =	swait.ge [sflag:s29], $0x1  }
0xb6: {  	[sflag:s29] =	ssyncadd.s32 $0xFFFFFFFF  }
0xb7: {  	_ =	strace $0x90000048  }
0xb8: {  	_ =	sfence  }
0xb9: {  	s30 =	sld [smem:$0x0];
	_ =	sdelay $0x2  }
0xba: {  	s31 =	sshll.u32 s1, $0xD;
	s1 =	sshrl.u32 s1, $0x2  }
0xbb: {  	s3 =	sand.u32 $0x4000, s31;
	s1 =	sadd.s32 s1, s30  }
0xbc: {  	s0 =	sor.u32 s3, s0;
	s1 =	sshll.u32 s1, $0x11  }
0xbd: {  	s0 =	sor.u32 s1, s0  }
0xbe: {  	s0 =	sadd.s32 $0x8F2B, s0  }
0xbf: {  	[sflag:s0] =	ssyncadd.remote.s32 $0x1  }
0xc0: {  	_ =	sfence.sel $0xFFFF  }
0xc1: {  	[dreg:$0x0] =	wrdreg $0xFFFFFFFF;
	(pc) =	sbr.abs _section_cstart, $3  }
0xc2: {  	[dreg:$0x1] =	wrdreg $0xFFFFFFFF  }
0xc3: {  	_ =	task.clear_ibuf [dreg:s8], $0x2FFFF;
	_ =	strace $0x9FFFFFFF  }
0xc4: {  	(tm) =	ssettm $0x7FFFFFFF  }
0xc5: {  	_ =	shalt  }
tec
execute0_lowered:
.L_overlay_start_1:
0x0: {  	(tag) =	ssettag $0x1  }
0x1: {  	s5 =	rddreg [dreg:$0x0]  }
0x2: {  	s1 =	srdreg.scid;
	s2 =	rddreg [dreg:$0x1]  }
0x3: {  	s0 =	stileid.u32;
	s6 =	rddreg [dreg:$0x2];
	s4 =	simm.s32 $0x1  }
0x4: {  	s3 =	simm.s32 $0x0;
	s16 =	simm.s32 $0x0;
	s7 =	sand.u32 $0x1, s1  }
0x5: {  	[smem:$0x7FF] =	sst s3;
	s13 =	sadd.s32 $0x4400, s6;
	s1 =	sor.u32 s7, s0  }
0x6: {  	p1 =	seq.s32 s7, $0x1;
	s10 =	ssub.s32 $0x2, s7;
	s25 =	sshll.u32 s7, $0x11  }
0x7: {  	s14 =	sshllo.u32 s7, $0x1;
	s15 =	sshll.u32 s7, $0x8;
	p0 =	seq.s32 s1, $0x0  }
0x8: {  	s1 =	rddreg [dreg:$0x3];
	_ =	strace $0x80000047;
	p0 =	por !p0, !p1  }
0x9: {  	s12 =	sshrl.u32 s10, $0x1;
	s28 =	sshll.u32 s14, $0x10;
	p0 =	por !p0, !p0  }
0xa: {  	s31 =	sshll.u32 s14, $0x7;
	s14 =	simm.s32 $0x6010;
	s4 =	simm.s32 @!p0 $0x0  }
0xb: {  	v1 =	vmov s15;
	s15 =	simm.s32 $0x4;
	s10 =	ssub.s32 s10, s12;
	s8 =	ssub.s32 s0, s4  }
0xc: {  	s12 =	simm.s32 $0x3;
	s4 =	simm.s32 $0x1;
	s9 =	sshll.u32 s8, $0xA  }
0xd: {  	s11 =	sshll.u32 s8, $0xB;
	s24 =	sshll.u32 s8, $0x12;
	s9 =	sand.u32 $0x1FFFFC00, s9  }
.Ltmp0:
0xe: {  	s11 =	sand.u32 $0x1FFFF800, s11;
	s26 =	sor.u32 s25, s24;
	(pc) =	sbr.rel .LBB2_1-.Ltmp0, $4  }
0xf: {  	s30 =	sor.u32 s28, s24;
	s9 =	sadd.s32 s9, s6;
	s5 =	sadd.s32 s5, s11  }
0x10: {  	v2 =	vlaneseq.u32;
	v4 =	vimm.f32 $0.0e+00;
	s29 =	sshrl.u32 s26, $0x3;
	s6 =	sadd.s32 $0x400, s9;
	s9 =	sshrl.u32 s30, $0x3  }
0x11: {  	v6 =	vand.u32 $0x7, v2;
	v7 =	vor.u32 $0xFFFFFF78, v2;
	v0 =	vmov s8;
	s11 =	simm.s32 $0x6000;
	s7 =	sadd.s32 s13, s29;
	s8 =	sadd.s32 s13, s9  }
0x12: {  	v5 =	vor.u32 $0xFFFFFF68, v6;
	v6 =	vor.u32 $0x80, v6;
	v3 =	vmov s31;
	s9 =	smax.u32 s10, $0x1;
	s10 =	simm.s32 $0x4000;
	s13 =	simm.s32 $0x2  }
.LBB2_14:
0x13: {  	s17 =	simm.s32 $0x4010  }
.LBB2_18:
0x14: {  	v15 =	vand.u32 @p0 $0xFFFFF000, v15;
	v16 =	vand.u32 @p0 $0xFFFFFC00, v16;
	v14 =	vshll.u32 @p0 v14, $0x7  }
0x15: {  	v13 =	vshll.u32 v13, $0x1;
	v15 =	vadd.s32 @p0 v16, v15;
	v14 =	vand.u32 @p0 $0x380, v14  }
0x16: {  	v11 =	vand.u32 @p0 $0x7F, v11;
	v13 =	vand.u32 $0xFFFFFF00, v13;
	v14 =	vor.u32 @p0 v14, v15  }
0x17: {  	v12 =	vor.u32 v12, v13;
	v11 =	vor.u32 @p0 v11, v14  }
0x18: {  	v13 =	vand.u32 v5, v12;
	_ =	sdelay $0x2  }
0x19: {  	v12 =	vand.u32 $0xFFFFFF68, v12  }
0x1a: {  	v12 =	vor.u32 v6, v12;
	[tilespmem:v11+s14+$0x0] =	vst.idx.msk @p0 vm0, v10  }
0x1b: {  	v10 =	vld.idx.msk [tilespmem:v13+s3+$0x0], $0xffff;
	_ =	sdelay $0x3  }
0x1c: {  	v11 =	vld.idx.msk [tilespmem:v12+s3+$0x0], $0xffff  }
0x1d: {  	v10 =	vsub.s32 v10, v3  }
0x1e: {  	vm13 =	vlt.s32 v9, v8;
	vm1 =	vlt.u32 v10, $0x80  }
0x1f: {  	vm0 =	vmand vm13, vm1  }
0x20: {  	v54 =	vmov s19;
	v55 =	vor.u32 s19, v2;
	v53 =	vnsel vm0, $0x0, v10  }
0x21: {  	v58 =	vand.u32 $0x7F, v55;
	v57 =	vshll.u32 v11, $0x3;
	v56 =	vshll.u32 v53, $0x9  }
0x22: {  	v14 =	vand.u32 $0xFFFFFC00, v57;
	v9 =	vshll.u32 v53, $0x7;
	v13 =	vand.u32 $0xFFFFF000, v56  }
0x23: {  	s17 =	sadd.s32 @p0 $0x20, s17;
	v10 =	vshll.u32 v54, $0x1;
	v9 =	vand.u32 $0x380, v9;
	v13 =	vadd.s32 v14, v13  }
0x24: {  	s18 =	smov.u32 @p0 s17;
	v11 =	vand.u32 $0x7F, v11;
	v10 =	vand.u32 $0xFFFFFF00, v10;
	v9 =	vor.u32 v9, v13  }
0x25: {  	v59 =	vld [tilespmem:s18+$0xFFFFFFF0];
	v10 =	vor.u32 v58, v10;
	v9 =	vor.u32 v11, v9  }
0x26: {  	v60 =	vand.u32 v7, v10;
	_ =	sdelay $0x2  }
0x27: {  	v10 =	vand.u32 $0xFFFFFF78, v10  }
0x28: {  	v10 =	vor.u32 v6, v10;
	[tilespmem:v9+s14+$0x0] =	vst.idx.msk vm0, v59  }
0x29: {  	v9 =	vld.idx.msk [tilespmem:v60+s3+$0x0], $0xffff;
	_ =	sdelay $0x3  }
0x2a: {  	v10 =	vld.idx.msk [tilespmem:v10+s3+$0x0], $0xffff  }
0x2b: {  	v9 =	vsub.s32 v9, v3  }
0x2c: {  	vm14 =	vlt.s32 v55, v8;
	vm15 =	vlt.u32 v9, $0x80  }
0x2d: {  	vm0 =	vmand vm14, vm15  }
0x2e: {  	v8 =	vnsel vm0, $0x0, v9  }
0x2f: {  	v61 =	vshll.u32 v10, $0x3;
	v9 =	vshll.u32 v8, $0x9  }
0x30: {  	v11 =	vand.u32 $0xFFFFFC00, v61;
	v8 =	vshll.u32 v8, $0x7;
	v9 =	vand.u32 $0xFFFFF000, v9  }
0x31: {  	v8 =	vand.u32 $0x380, v8;
	v9 =	vadd.s32 v11, v9  }
0x32: {  	v62 =	vand.u32 $0x7F, v10;
	v8 =	vor.u32 v8, v9  }
0x33: {  	v63 =	vld [tilespmem:s18+$0x0];
	v8 =	vor.u32 v62, v8;
	_ =	sdelay $0x4  }
0x34: {  	[tilespmem:v8+s14+$0x0] =	vst.idx.msk vm0, v63  }
.LBB2_19:
0x35: {  	s16 =	sadd.s32 $0x1, s16  }
0x36: {  	p0 =	sne.s32 s16, s9  }
.Ltmp1:
0x37: {  	_ = 	snop;
	(pc) =	sbr.rel @!p0 .LBB2_20-.Ltmp1, $4  }
0x38: {  	[hbm4b:s8+s3] =	stream.linear.scatter [tilespmem:s14], [sflag:$0x4], $0x10000, $0x38;
	[tilespmem:$0x16010] =	vst v63  }
0x39: {  	_ =	swait.ge [sflag:s15], $0x10000  }
0x3a: {  	[sflag:s15] =	ssyncset.done $0x0  }
0x3b: {  	[sflag:s15] =	ssyncadd.s32 $0xFFFF0000  }
.LBB2_1:
0x3c: {  	[tilespmem:s3], [sflag:$0x1] =	stream.linear.gather [hbm4b:s5+s3], $0x4000, $0x38;
	[tilespmem:$0x16010] =	vst v63  }
0x3d: {  	_ = 	snop  }
0x3e: {  	[tilespmem:s10], [sflag:$0x2] =	stream.linear.gather [hbm4b:s6+s3], $0x2000, $0x38;
	[tilespmem:$0x16010] =	vst v63  }
0x3f: {  	s17 =	simm.s32 $0x0;
	s18 =	simm.s32 $0x400  }
0x40: {  	[tilespmem:s11], [sflag:$0x3] =	stream.linear.gather [hbm4b:s2+s3], $0x10, $0x38;
	[tilespmem:$0x16010] =	vst v63  }
.LBB2_2:
0x41: {  	p0 =	sne.s32 s18, $0x3FC00;
	[tilespmem:s17+$0x6100] =	vst v4  }
0x42: {  	[tilespmem:s17+$0x6010] =	vst v4  }
0x43: {  	[tilespmem:s17+$0x6020] =	vst v4  }
0x44: {  	[tilespmem:s17+$0x6030] =	vst v4  }
0x45: {  	[tilespmem:s17+$0x6040] =	vst v4  }
0x46: {  	[tilespmem:s17+$0x6050] =	vst v4  }
0x47: {  	[tilespmem:s17+$0x6060] =	vst v4  }
0x48: {  	[tilespmem:s17+$0x6070] =	vst v4  }
0x49: {  	[tilespmem:s17+$0x6080] =	vst v4  }
0x4a: {  	[tilespmem:s17+$0x6090] =	vst v4  }
0x4b: {  	[tilespmem:s17+$0x60A0] =	vst v4  }
.Ltmp2:
0x4c: {  	[tilespmem:s17+$0x60B0] =	vst v4;
	(pc) =	sbr.rel @p0 .LBB2_2-.Ltmp2, $4  }
0x4d: {  	[tilespmem:s17+$0x60C0] =	vst v4  }
0x4e: {  	[tilespmem:s17+$0x60D0] =	vst v4  }
0x4f: {  	[tilespmem:s17+$0x60E0] =	vst v4  }
0x50: {  	[tilespmem:s17+$0x60F0] =	vst v4;
	s17 =	sshra.s32 s18, $0x2;
	s18 =	sadd.s32 $0x400, s18  }
0x51: {  	[tilespmem:s17+$0x6100] =	vst v4  }
0x52: {  	[tilespmem:s17+$0x6010] =	vst v4  }
0x53: {  	[tilespmem:s17+$0x6020] =	vst v4  }
0x54: {  	[tilespmem:s17+$0x6030] =	vst v4  }
0x55: {  	[tilespmem:s17+$0x6040] =	vst v4  }
0x56: {  	[tilespmem:s17+$0x6050] =	vst v4  }
0x57: {  	[tilespmem:s17+$0x6060] =	vst v4  }
0x58: {  	[tilespmem:s17+$0x6070] =	vst v4  }
0x59: {  	[tilespmem:s17+$0x6080] =	vst v4  }
0x5a: {  	[tilespmem:s17+$0x6090] =	vst v4  }
0x5b: {  	[tilespmem:s17+$0x60A0] =	vst v4  }
0x5c: {  	[tilespmem:s17+$0x60B0] =	vst v4  }
0x5d: {  	[tilespmem:s17+$0x60C0] =	vst v4  }
0x5e: {  	[tilespmem:s17+$0x60D0] =	vst v4  }
0x5f: {  	[tilespmem:s17+$0x60E0] =	vst v4  }
0x60: {  	[tilespmem:s17+$0x60F0] =	vst v4  }
0x61: {  	_ =	swait.ge [sflag:s12], $0x10  }
0x62: {  	[sflag:s12] =	ssyncset.done $0x0  }
0x63: {  	[sflag:s12] =	ssyncadd.s32 $0xFFFFFFF0  }
0x64: {  	_ =	swait.ge [sflag:s4], $0x4000  }
0x65: {  	[sflag:s4] =	ssyncset.done $0x0  }
0x66: {  	[sflag:s4] =	ssyncadd.s32 $0xFFFFC000  }
0x67: {  	_ =	swait.ge [sflag:s13], $0x2000  }
0x68: {  	[sflag:s13] =	ssyncset.done $0x0  }
0x69: {  	[sflag:s13] =	ssyncadd.s32 $0xFFFFE000  }
0x6a: {  	v8 =	vld.idx.msk [tilespmem:v0+s11+$0x0], $0xffff;
	_ =	sdelay $0x4  }
0x6b: {  	v9 =	vxor.u32 $0x80000000, v8  }
0x6c: {  	(xrf0) =	vmax.scan.msk.u32 $0xffff, v9;
	_ =	sdelay $0x5  }
0x6d: {  	v9, _, _ =	vpop (xrf0)  }
0x6e: {  	(v2sf) =	vpush v9, $0xF;
	_ =	sdelay $0xe  }
0x6f: {  	s30 =	spop (v2sf)  }
0x70: {  	s17 =	sadd.s32 $0x8000001F, s30  }
0x71: {  	s18 =	sand.u32 $0x1F, s17  }
0x72: {  	s31 =	sshra.s32 s17, $0x1F;
	p1 =	slt.s32 s17, $0x1;
	p0 =	sne.s32 s18, $0x0  }
0x73: {  	s18 =	sshrl.u32 s31, $0x1B;
	p0 =	por !p1, !p0  }
0x74: {  	s17 =	sadd.s32 s18, s17;
	s18 =	simm.s32 $0x1;
	p0 =	por !p0, !p0  }
0x75: {  	s17 =	sshra.s32 s17, $0x5;
	s18 =	simm.s32 @!p0 $0x0  }
0x76: {  	s17 =	ssub.s32 s17, s18  }
0x77: {  	p0 =	slt.s32 s17, $0x1  }
.Ltmp3:
0x78: {  	_ = 	snop;
	(pc) =	sbr.rel @p0 .LBB2_10-.Ltmp3, $1  }
0x79: {  	_ =	sdelay $0x3  }
0x7a: {  	p1 =	sne.s32 s17, $0x1  }
.Ltmp4:
0x7b: {  	_ = 	snop;
	(pc) =	sbr.rel @!p1 .LBB2_5-.Ltmp4, $4  }
0x7c: {  	_ = 	snop  }
0x7d: {  	s20 =	simm.s32 $0x0  }
0x7e: {  	s18 =	simm.s32 $0x4010;
	v9 =	vor.u32 s20, v2  }
0x7f: {  	s19 =	simm.s32 $0x10;
	p0 =	por $0x0, $0x0;
	v13 =	vmov s20;
	s20 =	sadd.s32 $0xFFFFFFFF, s17;
	v12 =	vand.u32 $0x6F, v9  }
0x80: {  	v10 =	vshll.u32 v13, $0x1  }
0x81: {  	v10 =	vand.u32 $0xFFFFFF00, v10  }
0x82: {  	v10 =	vor.u32 v12, v10  }
0x83: {  	v11 =	vand.u32 v5, v10;
	_ =	sdelay $0x1  }
0x84: {  	v10 =	vand.u32 $0xFFFFFF68, v10  }
0x85: {  	v10 =	vor.u32 v6, v10;
	_ =	sdelay $0x1  }
0x86: {  	v11 =	vld.idx.msk [tilespmem:v11+s3+$0x0], $0xffff;
	_ =	sdelay $0x2  }
0x87: {  	v10 =	vld.idx.msk [tilespmem:v10+s3+$0x0], $0xffff;
	_ =	sdelay $0x1  }
0x88: {  	v11 =	vsub.s32 v11, v1  }
0x89: {  	vm0 =	vlt.s32 v9, v8;
	vm1 =	vlt.u32 v11, $0x80  }
0x8a: {  	vm0 =	vmand vm0, vm1  }
0x8b: {  	v12 =	vor.u32 s19, v2;
	v14 =	vshll.u32 v10, $0x3;
	v9 =	vnsel vm0, $0x0, v11  }
0x8c: {  	v15 =	vand.u32 $0x7F, v12;
	v14 =	vand.u32 $0xFFFFFC00, v14;
	v13 =	vshll.u32 v9, $0x9  }
0x8d: {  	v11 =	vmov s19;
	v9 =	vshll.u32 v9, $0x7;
	v13 =	vand.u32 $0xFFFFF000, v13  }
0x8e: {  	v11 =	vshll.u32 v11, $0x1;
	v9 =	vand.u32 $0x380, v9;
	v13 =	vadd.s32 v14, v13  }
0x8f: {  	v10 =	vand.u32 $0x7F, v10;
	v11 =	vand.u32 $0xFFFFFF00, v11;
	v9 =	vor.u32 v9, v13  }
0x90: {  	v13 =	vld [tilespmem:s18+$0xFFFFFFF0];
	v9 =	vor.u32 v10, v9;
	v10 =	vor.u32 v15, v11  }
0x91: {  	v11 =	vand.u32 v7, v10;
	_ =	sdelay $0x2  }
0x92: {  	v10 =	vand.u32 $0xFFFFFF78, v10  }
0x93: {  	v10 =	vor.u32 v6, v10;
	[tilespmem:v9+s14+$0x0] =	vst.idx.msk vm0, v13  }
0x94: {  	v9 =	vld.idx.msk [tilespmem:v11+s3+$0x0], $0xffff;
	_ =	sdelay $0x3  }
0x95: {  	p1 =	sne.s32 s20, $0x1;
	v11 =	vld.idx.msk [tilespmem:v10+s3+$0x0], $0xffff  }
.Ltmp5:
0x96: {  	v10 =	vsub.s32 v9, v1;
	(pc) =	sbr.rel @!p1 .LBB2_7-.Ltmp5, $4  }
0x97: {  	vm0 =	vlt.s32 v12, v8;
	vm1 =	vlt.u32 v10, $0x80  }
0x98: {  	s21 =	simm.s32 $0x20;
	vm0 =	vmand vm0, vm1  }
0x99: {  	p0 =	por $0x1, $0x1;
	v13 =	vmov s21;
	v9 =	vor.u32 s21, v2;
	v14 =	vnsel vm0, $0x0, v10  }
0x9a: {  	s19 =	simm.s32 $0x30;
	s21 =	sadd.s32 $0xFFFFFFFF, s20;
	s20 =	simm.s32 $0x4010;
	v12 =	vand.u32 $0x6F, v9;
	v16 =	vshll.u32 v11, $0x3;
	v10 =	vld [tilespmem:s18+$0x0];
	v15 =	vshll.u32 v14, $0x9  }
.LBB2_8:
0x9b: {  	p1 =	sne.s32 s21, $0x1;
	v15 =	vand.u32 $0xFFFFF000, v15;
	v16 =	vand.u32 $0xFFFFFC00, v16;
	v14 =	vshll.u32 v14, $0x7  }
0x9c: {  	v13 =	vshll.u32 v13, $0x1;
	v15 =	vadd.s32 v16, v15;
	v14 =	vand.u32 $0x380, v14  }
0x9d: {  	v11 =	vand.u32 $0x7F, v11;
	v13 =	vand.u32 $0xFFFFFF00, v13;
	v14 =	vor.u32 v14, v15  }
0x9e: {  	v12 =	vor.u32 v12, v13;
	v11 =	vor.u32 v11, v14  }
0x9f: {  	v13 =	vand.u32 v5, v12;
	v12 =	vand.u32 $0xFFFFFF68, v12  }
0xa0: {  	v12 =	vor.u32 v6, v12;
	_ =	sdelay $0x2  }
0xa1: {  	[tilespmem:v11+s14+$0x0] =	vst.idx.msk vm0, v10  }
0xa2: {  	v10 =	vld.idx.msk [tilespmem:v13+s3+$0x0], $0xffff  }
0xa3: {  	s20 =	sadd.s32 $0x20, s20;
	v11 =	vld.idx.msk [tilespmem:v12+s3+$0x0], $0xffff  }
0xa4: {  	v12 =	vld [tilespmem:s20+$0xFFFFFFF0];
	_ =	sdelay $0x3  }
0xa5: {  	v10 =	vsub.s32 v10, v1  }
0xa6: {  	vm0 =	vlt.s32 v9, v8;
	vm1 =	vlt.u32 v10, $0x80  }
0xa7: {  	vm0 =	vmand vm0, vm1  }
0xa8: {  	v13 =	vor.u32 s19, v2;
	v9 =	vnsel vm0, $0x0, v10;
	v10 =	vmov s19  }
0xa9: {  	v16 =	vand.u32 $0x7F, v13;
	v15 =	vshll.u32 v11, $0x3;
	v14 =	vshll.u32 v9, $0x9  }
0xaa: {  	v15 =	vand.u32 $0xFFFFFC00, v15;
	v9 =	vshll.u32 v9, $0x7;
	v14 =	vand.u32 $0xFFFFF000, v14  }
0xab: {  	v10 =	vshll.u32 v10, $0x1;
	v9 =	vand.u32 $0x380, v9;
	v14 =	vadd.s32 v15, v14  }
0xac: {  	v11 =	vand.u32 $0x7F, v11;
	v10 =	vand.u32 $0xFFFFFF00, v10;
	v9 =	vor.u32 v9, v14  }
0xad: {  	v10 =	vor.u32 v16, v10;
	v9 =	vor.u32 v11, v9  }
0xae: {  	v11 =	vand.u32 v7, v10;
	v10 =	vand.u32 $0xFFFFFF78, v10  }
0xaf: {  	v10 =	vor.u32 v6, v10;
	_ =	sdelay $0x2  }
0xb0: {  	[tilespmem:v9+s14+$0x0] =	vst.idx.msk vm0, v12  }
0xb1: {  	v9 =	vld.idx.msk [tilespmem:v11+s3+$0x0], $0xffff  }
0xb2: {  	v11 =	vld.idx.msk [tilespmem:v10+s3+$0x0], $0xffff  }
0xb3: {  	v10 =	vld [tilespmem:s20+$0x0];
	_ =	sdelay $0x3  }
.Ltmp6:
0xb4: {  	v12 =	vsub.s32 v9, v1;
	(pc) =	sbr.rel @p1 .LBB2_8-.Ltmp6, $4  }
0xb5: {  	s19 =	sadd.s32 $0x20, s19;
	vm0 =	vlt.s32 v13, v8;
	vm1 =	vlt.u32 v12, $0x80  }
0xb6: {  	s22 =	sadd.s32 $0xFFFFFFF0, s19;
	vm0 =	vmand vm0, vm1  }
0xb7: {  	v13 =	vmov s22;
	v9 =	vor.u32 s22, v2;
	v14 =	vnsel vm0, $0x0, v12  }
0xb8: {  	s21 =	sadd.s32 $0xFFFFFFFF, s21;
	v16 =	vshll.u32 v11, $0x3;
	v12 =	vand.u32 $0x6F, v9;
	v15 =	vshll.u32 v14, $0x9  }
.LBB2_9:
0xb9: {  	v15 =	vand.u32 @p0 $0xFFFFF000, v15;
	v16 =	vand.u32 @p0 $0xFFFFFC00, v16;
	v14 =	vshll.u32 @p0 v14, $0x7  }
0xba: {  	v13 =	vshll.u32 v13, $0x1;
	v15 =	vadd.s32 @p0 v16, v15;
	v14 =	vand.u32 @p0 $0x380, v14  }
0xbb: {  	v11 =	vand.u32 @p0 $0x7F, v11;
	v13 =	vand.u32 $0xFFFFFF00, v13;
	v14 =	vor.u32 @p0 v14, v15  }
0xbc: {  	v12 =	vor.u32 v12, v13;
	v11 =	vor.u32 @p0 v11, v14  }
0xbd: {  	v13 =	vand.u32 v5, v12;
	_ =	sdelay $0x1  }
0xbe: {  	v12 =	vand.u32 $0xFFFFFF68, v12  }
0xbf: {  	v12 =	vor.u32 v6, v12  }
0xc0: {  	[tilespmem:v11+s14+$0x0] =	vst.idx.msk @p0 vm0, v10  }
0xc1: {  	v10 =	vld.idx.msk [tilespmem:v13+s3+$0x0], $0xffff;
	_ =	sdelay $0x2  }
0xc2: {  	v11 =	vld.idx.msk [tilespmem:v12+s3+$0x0], $0xffff;
	_ =	sdelay $0x1  }
0xc3: {  	v10 =	vsub.s32 v10, v1  }
0xc4: {  	vm13 =	vlt.s32 v9, v8;
	vm1 =	vlt.u32 v10, $0x80  }
0xc5: {  	vm0 =	vmand vm13, vm1  }
0xc6: {  	v58 =	vor.u32 s19, v2;
	v60 =	vshll.u32 v11, $0x3;
	v9 =	vnsel vm0, $0x0, v10  }
0xc7: {  	v61 =	vand.u32 $0x7F, v58;
	v14 =	vand.u32 $0xFFFFFC00, v60;
	v59 =	vshll.u32 v9, $0x9  }
0xc8: {  	v10 =	vmov s19;
	v9 =	vshll.u32 v9, $0x7;
	v13 =	vand.u32 $0xFFFFF000, v59  }
0xc9: {  	s19 =	sadd.s32 @p0 $0x20, s20;
	v10 =	vshll.u32 v10, $0x1;
	v9 =	vand.u32 $0x380, v9;
	v13 =	vadd.s32 v14, v13  }
0xca: {  	v11 =	vand.u32 $0x7F, v11;
	s18 =	smov.u32 @p0 s19;
	v10 =	vand.u32 $0xFFFFFF00, v10;
	v9 =	vor.u32 v9, v13  }
0xcb: {  	v62 =	vld [tilespmem:s18+$0xFFFFFFF0];
	v10 =	vor.u32 v61, v10;
	v9 =	vor.u32 v11, v9  }
0xcc: {  	v11 =	vand.u32 v7, v10;
	_ =	sdelay $0x2  }
0xcd: {  	v10 =	vand.u32 $0xFFFFFF78, v10  }
0xce: {  	v10 =	vor.u32 v6, v10;
	[tilespmem:v9+s14+$0x0] =	vst.idx.msk vm0, v62  }
0xcf: {  	v9 =	vld.idx.msk [tilespmem:v11+s3+$0x0], $0xffff;
	_ =	sdelay $0x3  }
0xd0: {  	v10 =	vld.idx.msk [tilespmem:v10+s3+$0x0], $0xffff  }
0xd1: {  	v9 =	vsub.s32 v9, v1  }
0xd2: {  	vm14 =	vlt.s32 v58, v8;
	vm15 =	vlt.u32 v9, $0x80  }
0xd3: {  	vm0 =	vmand vm14, vm15  }
0xd4: {  	v9 =	vnsel vm0, $0x0, v9  }
0xd5: {  	v63 =	vshll.u32 v10, $0x3;
	v11 =	vshll.u32 v9, $0x9  }
0xd6: {  	v12 =	vand.u32 $0xFFFFFC00, v63;
	v9 =	vshll.u32 v9, $0x7;
	v11 =	vand.u32 $0xFFFFF000, v11  }
0xd7: {  	v9 =	vand.u32 $0x380, v9;
	v11 =	vadd.s32 v12, v11  }
0xd8: {  	v10 =	vand.u32 $0x7F, v10;
	v9 =	vor.u32 v9, v11  }
0xd9: {  	v11 =	vld [tilespmem:s18+$0x0];
	v9 =	vor.u32 v10, v9;
	_ =	sdelay $0x4  }
0xda: {  	[tilespmem:v9+s14+$0x0] =	vst.idx.msk vm0, v11  }
.LBB2_10:
0xdb: {  	s18 =	simm.s32 $0x0  }
0xdc: {  	[hbm4b:s7+s18] =	stream.linear.scatter [tilespmem:s14], [sflag:$0x4], $0x10000, $0x38;
	[tilespmem:$0x16010] =	vst v63  }
0xdd: {  	_ =	swait.ge [sflag:s15], $0x10000  }
0xde: {  	[sflag:s15] =	ssyncset.done $0x0  }
0xdf: {  	s19 =	simm.s32 $0x400;
	s18 =	simm.s32 $0x0;
	[sflag:s15] =	ssyncadd.s32 $0xFFFF0000  }
.LBB2_11:
0xe0: {  	p0 =	seq.s32 s19, $0x3FC00;
	[tilespmem:s18+$0x6100] =	vst v4  }
0xe1: {  	[tilespmem:s18+$0x6010] =	vst v4  }
0xe2: {  	[tilespmem:s18+$0x6020] =	vst v4  }
0xe3: {  	[tilespmem:s18+$0x6030] =	vst v4  }
0xe4: {  	[tilespmem:s18+$0x6040] =	vst v4  }
0xe5: {  	[tilespmem:s18+$0x6050] =	vst v4  }
0xe6: {  	[tilespmem:s18+$0x6060] =	vst v4  }
0xe7: {  	[tilespmem:s18+$0x6070] =	vst v4  }
0xe8: {  	[tilespmem:s18+$0x6080] =	vst v4  }
0xe9: {  	[tilespmem:s18+$0x6090] =	vst v4  }
0xea: {  	[tilespmem:s18+$0x60A0] =	vst v4  }
.Ltmp7:
0xeb: {  	[tilespmem:s18+$0x60B0] =	vst v4;
	(pc) =	sbr.rel @!p0 .LBB2_11-.Ltmp7, $4  }
0xec: {  	[tilespmem:s18+$0x60C0] =	vst v4  }
0xed: {  	[tilespmem:s18+$0x60D0] =	vst v4  }
0xee: {  	[tilespmem:s18+$0x60E0] =	vst v4  }
0xef: {  	[tilespmem:s18+$0x60F0] =	vst v4;
	s18 =	sshra.s32 s19, $0x2;
	s19 =	sadd.s32 $0x400, s19  }
0xf0: {  	[tilespmem:s18+$0x6100] =	vst v4  }
0xf1: {  	[tilespmem:s18+$0x6010] =	vst v4  }
0xf2: {  	[tilespmem:s18+$0x6020] =	vst v4  }
0xf3: {  	[tilespmem:s18+$0x6030] =	vst v4  }
0xf4: {  	[tilespmem:s18+$0x6040] =	vst v4  }
0xf5: {  	[tilespmem:s18+$0x6050] =	vst v4  }
0xf6: {  	[tilespmem:s18+$0x6060] =	vst v4  }
0xf7: {  	[tilespmem:s18+$0x6070] =	vst v4  }
0xf8: {  	[tilespmem:s18+$0x6080] =	vst v4  }
0xf9: {  	[tilespmem:s18+$0x6090] =	vst v4  }
0xfa: {  	[tilespmem:s18+$0x60A0] =	vst v4;
	p0 =	sgt.s32 s17, $0x0  }
.Ltmp8:
0xfb: {  	[tilespmem:s18+$0x60B0] =	vst v4;
	(pc) =	sbr.rel @!p0 .LBB2_19-.Ltmp8, $4  }
0xfc: {  	[tilespmem:s18+$0x60C0] =	vst v4  }
0xfd: {  	[tilespmem:s18+$0x60D0] =	vst v4  }
0xfe: {  	[tilespmem:s18+$0x60E0] =	vst v4  }
0xff: {  	[tilespmem:s18+$0x60F0] =	vst v4  }
0x100: {  	p1 =	sne.s32 s17, $0x1  }
.Ltmp9:
0x101: {  	_ = 	snop;
	(pc) =	sbr.rel @!p1 .LBB2_14-.Ltmp9, $4  }
0x102: {  	_ = 	snop  }
0x103: {  	s20 =	simm.s32 $0x0  }
0x104: {  	s18 =	simm.s32 $0x4010;
	v9 =	vor.u32 s20, v2  }
0x105: {  	s19 =	simm.s32 $0x10;
	s17 =	sadd.s32 $0xFFFFFFFF, s17;
	p0 =	por $0x0, $0x0;
	v13 =	vmov s20;
	v12 =	vand.u32 $0x6F, v9  }
0x106: {  	v10 =	vshll.u32 v13, $0x1  }
0x107: {  	v10 =	vand.u32 $0xFFFFFF00, v10  }
0x108: {  	v10 =	vor.u32 v12, v10  }
0x109: {  	v11 =	vand.u32 v5, v10;
	_ =	sdelay $0x1  }
0x10a: {  	v10 =	vand.u32 $0xFFFFFF68, v10  }
0x10b: {  	v10 =	vor.u32 v6, v10;
	_ =	sdelay $0x1  }
0x10c: {  	v11 =	vld.idx.msk [tilespmem:v11+s3+$0x0], $0xffff;
	_ =	sdelay $0x2  }
0x10d: {  	v10 =	vld.idx.msk [tilespmem:v10+s3+$0x0], $0xffff;
	_ =	sdelay $0x1  }
0x10e: {  	v11 =	vsub.s32 v11, v3  }
0x10f: {  	vm0 =	vlt.s32 v9, v8;
	vm1 =	vlt.u32 v11, $0x80  }
0x110: {  	vm0 =	vmand vm0, vm1  }
0x111: {  	v12 =	vor.u32 s19, v2;
	v14 =	vshll.u32 v10, $0x3;
	v9 =	vnsel vm0, $0x0, v11  }
0x112: {  	v15 =	vand.u32 $0x7F, v12;
	v14 =	vand.u32 $0xFFFFFC00, v14;
	v13 =	vshll.u32 v9, $0x9  }
0x113: {  	v11 =	vmov s19;
	v9 =	vshll.u32 v9, $0x7;
	v13 =	vand.u32 $0xFFFFF000, v13  }
0x114: {  	v11 =	vshll.u32 v11, $0x1;
	v9 =	vand.u32 $0x380, v9;
	v13 =	vadd.s32 v14, v13  }
0x115: {  	v10 =	vand.u32 $0x7F, v10;
	v11 =	vand.u32 $0xFFFFFF00, v11;
	v9 =	vor.u32 v9, v13  }
0x116: {  	v13 =	vld [tilespmem:s18+$0xFFFFFFF0];
	v9 =	vor.u32 v10, v9;
	v10 =	vor.u32 v15, v11  }
0x117: {  	v11 =	vand.u32 v7, v10;
	_ =	sdelay $0x2  }
0x118: {  	v10 =	vand.u32 $0xFFFFFF78, v10  }
0x119: {  	v10 =	vor.u32 v6, v10;
	[tilespmem:v9+s14+$0x0] =	vst.idx.msk vm0, v13  }
0x11a: {  	v9 =	vld.idx.msk [tilespmem:v11+s3+$0x0], $0xffff;
	_ =	sdelay $0x3  }
0x11b: {  	p1 =	sne.s32 s17, $0x1;
	v11 =	vld.idx.msk [tilespmem:v10+s3+$0x0], $0xffff  }
.Ltmp10:
0x11c: {  	v10 =	vsub.s32 v9, v3;
	(pc) =	sbr.rel @!p1 .LBB2_16-.Ltmp10, $4  }
0x11d: {  	vm0 =	vlt.s32 v12, v8;
	vm1 =	vlt.u32 v10, $0x80  }
0x11e: {  	s20 =	simm.s32 $0x20;
	vm0 =	vmand vm0, vm1  }
0x11f: {  	p0 =	por $0x1, $0x1;
	v13 =	vmov s20;
	v9 =	vor.u32 s20, v2;
	v14 =	vnsel vm0, $0x0, v10  }
0x120: {  	s19 =	simm.s32 $0x30;
	s20 =	sadd.s32 $0xFFFFFFFF, s17;
	s17 =	simm.s32 $0x4010;
	v12 =	vand.u32 $0x6F, v9;
	v16 =	vshll.u32 v11, $0x3;
	v10 =	vld [tilespmem:s18+$0x0];
	v15 =	vshll.u32 v14, $0x9  }
.LBB2_17:
0x121: {  	p1 =	sne.s32 s20, $0x1;
	v15 =	vand.u32 $0xFFFFF000, v15;
	v16 =	vand.u32 $0xFFFFFC00, v16;
	v14 =	vshll.u32 v14, $0x7  }
0x122: {  	v13 =	vshll.u32 v13, $0x1;
	v15 =	vadd.s32 v16, v15;
	v14 =	vand.u32 $0x380, v14  }
0x123: {  	v11 =	vand.u32 $0x7F, v11;
	v13 =	vand.u32 $0xFFFFFF00, v13;
	v14 =	vor.u32 v14, v15  }
0x124: {  	v12 =	vor.u32 v12, v13;
	v11 =	vor.u32 v11, v14  }
0x125: {  	v13 =	vand.u32 v5, v12;
	v12 =	vand.u32 $0xFFFFFF68, v12  }
0x126: {  	v12 =	vor.u32 v6, v12;
	_ =	sdelay $0x2  }
0x127: {  	[tilespmem:v11+s14+$0x0] =	vst.idx.msk vm0, v10  }
0x128: {  	v10 =	vld.idx.msk [tilespmem:v13+s3+$0x0], $0xffff  }
0x129: {  	s17 =	sadd.s32 $0x20, s17;
	v11 =	vld.idx.msk [tilespmem:v12+s3+$0x0], $0xffff  }
0x12a: {  	v12 =	vld [tilespmem:s17+$0xFFFFFFF0];
	_ =	sdelay $0x3  }
0x12b: {  	v10 =	vsub.s32 v10, v3  }
0x12c: {  	vm0 =	vlt.s32 v9, v8;
	vm1 =	vlt.u32 v10, $0x80  }
0x12d: {  	vm0 =	vmand vm0, vm1  }
0x12e: {  	v13 =	vor.u32 s19, v2;
	v9 =	vnsel vm0, $0x0, v10;
	v10 =	vmov s19  }
0x12f: {  	v16 =	vand.u32 $0x7F, v13;
	v15 =	vshll.u32 v11, $0x3;
	v14 =	vshll.u32 v9, $0x9  }
0x130: {  	v15 =	vand.u32 $0xFFFFFC00, v15;
	v9 =	vshll.u32 v9, $0x7;
	v14 =	vand.u32 $0xFFFFF000, v14  }
0x131: {  	v10 =	vshll.u32 v10, $0x1;
	v9 =	vand.u32 $0x380, v9;
	v14 =	vadd.s32 v15, v14  }
0x132: {  	v11 =	vand.u32 $0x7F, v11;
	v10 =	vand.u32 $0xFFFFFF00, v10;
	v9 =	vor.u32 v9, v14  }
0x133: {  	v10 =	vor.u32 v16, v10;
	v9 =	vor.u32 v11, v9  }
0x134: {  	v11 =	vand.u32 v7, v10;
	v10 =	vand.u32 $0xFFFFFF78, v10  }
0x135: {  	v10 =	vor.u32 v6, v10;
	_ =	sdelay $0x2  }
0x136: {  	[tilespmem:v9+s14+$0x0] =	vst.idx.msk vm0, v12  }
0x137: {  	v9 =	vld.idx.msk [tilespmem:v11+s3+$0x0], $0xffff  }
0x138: {  	v11 =	vld.idx.msk [tilespmem:v10+s3+$0x0], $0xffff  }
0x139: {  	v10 =	vld [tilespmem:s17+$0x0];
	_ =	sdelay $0x3  }
.Ltmp11:
0x13a: {  	v12 =	vsub.s32 v9, v3;
	(pc) =	sbr.rel @p1 .LBB2_17-.Ltmp11, $4  }
0x13b: {  	s19 =	sadd.s32 $0x20, s19;
	vm0 =	vlt.s32 v13, v8;
	vm1 =	vlt.u32 v12, $0x80  }
0x13c: {  	s21 =	sadd.s32 $0xFFFFFFF0, s19;
	vm0 =	vmand vm0, vm1  }
0x13d: {  	v13 =	vmov s21;
	v9 =	vor.u32 s21, v2;
	v14 =	vnsel vm0, $0x0, v12  }
0x13e: {  	s20 =	sadd.s32 $0xFFFFFFFF, s20;
	v16 =	vshll.u32 v11, $0x3;
	v12 =	vand.u32 $0x6F, v9;
	v15 =	vshll.u32 v14, $0x9  }
.Ltmp12:
0x13f: {  	_ = 	snop;
	(pc) =	sbr.rel .LBB2_18-.Ltmp12, $1  }
0x140: {  	_ =	sdelay $0x3  }
.LBB2_5:
.Ltmp13:
0x141: {  	(pc) =	sbr.rel .LBB2_9-.Ltmp13, $2  }
0x142: {  	_ =	sdelay $0x2  }
0x143: {  	s20 =	simm.s32 $0x4010  }
.LBB2_7:
.Ltmp14:
0x144: {  	(pc) =	sbr.rel .LBB2_9-.Ltmp14, $2  }
0x145: {  	_ =	sdelay $0x2  }
0x146: {  	s20 =	simm.s32 $0x4010  }
.LBB2_16:
.Ltmp15:
0x147: {  	(pc) =	sbr.rel .LBB2_18-.Ltmp15, $2  }
0x148: {  	_ =	sdelay $0x2  }
0x149: {  	s17 =	simm.s32 $0x4010  }
.LBB2_20:
0x14a: {  	_ =	sfence.sel $0x180000  }
0x14b: {  	[bflag:$0x0] =	sbarrier.arrive $0xFFFF  }
0x14c: {  	p0 =	sne.s32 s0, $0x0;
	_ =	strace $0x90000047  }
0x14d: {  	s0 =	sadd.s32 @!p0 $0x100000, s1;
	[bflag:$0x2] =	sbarrier.arrive $0xFFFF  }
0x14e: {  	[sflag:s0] =	ssyncadd.tile.s32 @!p0 $0x1;
	_ =	shalt  }
.Lfunc_end2:
_tile_overlayer_lowered:
.L_overlay_start_2:
0x14f: {  	(tag) =	ssettag $0x2  }
0x150: {  	s0 =	rddreg [dreg:$0x0];
	s2 =	stileid.u32  }
0x151: {  	s1 =	rddreg [dreg:$0x1];
	p0 =	sne.s32 s2, $0x0  }
0x152: {  	s3 =	rddreg [dreg:$0x2];
	[bflag:$0x3] =	sbarrier.arrive $0xFFFF;
	s2 =	simm.s32 @!p0 $0x1C04  }
0x153: {  	[timem:s3], [sflag:s2] =	dma.local @!p0 [hbm:s0], s1  }
0x154: {  	s0 =	simm.s32 @!p0 $0x4  }
0x155: {  	_ =	swait.ge @!p0 [sflag:s0], s1  }
0x156: {  	s1 =	ssub.s32 @!p0 $0x0, s1;
	[sflag:s0] =	ssyncset.done @!p0 $0x0  }
0x157: {  	[sflag:s0] =	ssyncadd.s32 @!p0 s1  }
0x158: {  	[bflag:$0x3] =	sbarrier.arrive $0xFFFF  }
0x159: {  	_ =	shalt  }

</sc_bundles>
